<compile_context>
chip_gen: v7x
topology: tpu7x:2x2x1
jax: 0.10.2.dev20260603
libtpu: 0.0.44.dev20260713+nightly
codegen_flags: <defaults>
</compile_context>

<pallas_src>
import functools

import jax
import jax.numpy as jnp
from jax import lax
from jax.experimental import pallas as pl
from jax.experimental.pallas import tpu as pltpu
from jax.experimental.pallas import tpu_sc as plsc

_NC = 2
_NS = 16
_NW = _NC * _NS
_LANE = 128


_HW = 128

_SC0_SHARE = 0.58


@functools.lru_cache(maxsize=None)
def _make_hist_kernel(ksteps, nz, rpt):
    mesh = plsc.VectorSubcoreMesh(core_axis_name="c", subcore_axis_name="s")

    @functools.partial(
        pl.kernel,
        mesh=mesh,
        out_type=jax.ShapeDtypeStruct((_NC, nz, _HW), jnp.float32),
        scratch_types=[
            pltpu.VMEM((ksteps, _LANE), jnp.int32),
            pltpu.VMEM((_LANE, _HW), jnp.float32),
            pltpu.VMEM_SHARED((nz, _HW), jnp.float32),
        ],
    )
    def hist_kernel(dst_hbm, ones_hbm, zeros_hbm, hist_hbm, dst_v, ones_v, hist_s):
        c = lax.axis_index("c")
        s = lax.axis_index("s")
        wid = c * _NS + s
        pltpu.sync_copy(zeros_hbm, hist_s.at[pl.ds(s * rpt, rpt)])
        pltpu.sync_copy(dst_hbm.at[wid], dst_v)
        pltpu.sync_copy(ones_hbm, ones_v)
        plsc.subcore_barrier()

        def body(j, carry):
            pltpu.sync_copy(ones_v, hist_s.at[dst_v.at[j]], add=True)
            return carry

        lax.fori_loop(0, ksteps, body, 0)
        plsc.subcore_barrier()
        pltpu.sync_copy(hist_s.at[pl.ds(s * rpt, rpt)],
                        hist_hbm.at[c, pl.ds(s * rpt, rpt)])

    return hist_kernel


@functools.lru_cache(maxsize=None)
def _make_msg_kernel(k0, k1, nz, d, rpt):
    kmax = max(k0, k1)
    mesh = plsc.VectorSubcoreMesh(core_axis_name="c", subcore_axis_name="s")

    @functools.partial(
        pl.kernel,
        mesh=mesh,
        out_type=jax.ShapeDtypeStruct((_NC, nz, d), jnp.float32),
        scratch_types=[
            pltpu.VMEM((kmax, _LANE), jnp.int32),
            pltpu.VMEM((kmax, _LANE), jnp.int32),
            pltpu.VMEM((_LANE, d), jnp.float32),
            pltpu.VMEM_SHARED((nz, d), jnp.float32),
            pltpu.SemaphoreType.DMA,
        ],
    )
    def msg_kernel(src_hbm, dst_hbm, y_hbm, zeros_hbm, acc_hbm,
                   src_v, dst_v, buf, acc_s, sem):
        c = lax.axis_index("c")
        s = lax.axis_index("s")
        wid = c * _NS + s
        ksteps = jnp.where(c == 0, k0, k1)
        pltpu.sync_copy(zeros_hbm, acc_s.at[pl.ds(s * rpt, rpt)])
        pltpu.sync_copy(src_hbm.at[wid], src_v)
        pltpu.sync_copy(dst_hbm.at[wid], dst_v)
        plsc.subcore_barrier()

        def body(j, carry):
            pltpu.async_copy(y_hbm.at[src_v.at[j]], buf, sem).wait()
            pltpu.sync_copy(buf, acc_s.at[dst_v.at[j]], add=True)
            return carry

        lax.fori_loop(0, ksteps, body, 0)
        plsc.subcore_barrier()
        pltpu.sync_copy(acc_s.at[pl.ds(s * rpt, rpt)],
                        acc_hbm.at[c, pl.ds(s * rpt, rpt)])

    return msg_kernel


def _prep_body(x_ref, w_ref, h0_ref, h1_ref, te_ref, tw_ref, ce_ref, cw_ref,
               b_ref, tb_ref, cb_ref, y_ref, dis_ref, brow_ref):
    deg = h0_ref[...] + h1_ref[...] + 1.0
    dis = lax.rsqrt(deg)
    xw = jnp.dot(x_ref[...], w_ref[...], preferred_element_type=jnp.float32)
    y_ref[...] = xw * dis
    dis_ref[...] = dis
    brow_ref[...] = (
        b_ref[...] + tb_ref[...] + cb_ref[...]
        + jnp.dot(te_ref[...], tw_ref[...], preferred_element_type=jnp.float32)
        + jnp.dot(ce_ref[...], cw_ref[...], preferred_element_type=jnp.float32)
    )


def _final_body(a0_ref, a1_ref, y_ref, dis_ref, brow_ref, o_ref):
    o_ref[...] = ((a0_ref[0] + a1_ref[0] + y_ref[...]) * dis_ref[...]
                  + brow_ref[...])


def kernel(x, t_emb, c_emb, edge_index, W, b, tW, tb, cW, cb):
    n, _ = x.shape
    d = W.shape[1]
    e = edge_index.shape[1]

    epw = -(-e // _NW)
    ksteps = -(-epw // _LANE)
    total = _NW * ksteps * _LANE
    rpt = -(-(n + 1) // _NS)
    rpt = -(-rpt // 64) * 64
    nz = rpt * _NS

    src = edge_index[0]
    dst = edge_index[1]
    pad = total - e
    def _spread(k):
        return jnp.arange(k, dtype=jnp.int32) % (nz - n) + n

    dst_u = jnp.concatenate([dst, _spread(pad)]).reshape(_NW, ksteps, _LANE)

    steps_total = -(-e // (_NS * _LANE))
    k0 = max(1, int(round(steps_total * _SC0_SHARE)))
    k1 = steps_total - k0 + 1
    kmax = max(k0, k1)
    e0 = _NS * k0 * _LANE
    cap = _NS * (k0 + k1) * _LANE
    padw = cap - e
    srcw = jnp.concatenate([src, jnp.zeros((padw,), jnp.int32)])
    dstw = jnp.concatenate([dst, _spread(padw)])

    def _wsplit(arr):
        a = arr[:e0].reshape(_NS, k0, _LANE)
        a = jnp.pad(a, ((0, 0), (0, kmax - k0), (0, 0)))
        bprt = arr[e0:].reshape(_NS, k1, _LANE)
        bprt = jnp.pad(bprt, ((0, 0), (0, kmax - k1), (0, 0)))
        return jnp.concatenate([a, bprt], axis=0)

    src_p = _wsplit(srcw)
    dst_p = _wsplit(dstw)

    ones_col = jnp.ones((_LANE, _HW), jnp.float32)
    zeros_hist = jnp.zeros((rpt, _HW), jnp.float32)
    zeros_acc = jnp.zeros((rpt, d), jnp.float32)

    hist = _make_hist_kernel(ksteps, nz, rpt)(dst_u, ones_col, zeros_hist)
    h0 = hist[0, :n, 0:1]
    h1 = hist[1, :n, 0:1]

    te = t_emb.reshape(1, -1)
    ce = c_emb.reshape(1, -1)
    b2 = b.reshape(1, -1)
    tb2 = tb.reshape(1, -1)
    cb2 = cb.reshape(1, -1)

    y, dis, brow = pl.pallas_call(
        _prep_body,
        out_shape=[
            jax.ShapeDtypeStruct((n, d), jnp.float32),
            jax.ShapeDtypeStruct((n, 1), jnp.float32),
            jax.ShapeDtypeStruct((1, d), jnp.float32),
        ],
    )(x, W, h0, h1, te, tW, ce, cW, b2, tb2, cb2)

    acc = _make_msg_kernel(k0, k1, nz, d, rpt)(src_p, dst_p, y, zeros_acc)

    br = 2000 if n % 2000 == 0 else n
    grid = (n // br,)
    out = pl.pallas_call(
        _final_body,
        grid=grid,
        in_specs=[
            pl.BlockSpec((1, br, d), lambda i: (0, i, 0)),
            pl.BlockSpec((1, br, d), lambda i: (1, i, 0)),
            pl.BlockSpec((br, d), lambda i: (i, 0)),
            pl.BlockSpec((br, 1), lambda i: (i, 0)),
            pl.BlockSpec((1, d), lambda i: (0, 0)),
        ],
        out_specs=pl.BlockSpec((br, d), lambda i: (i, 0)),
        out_shape=jax.ShapeDtypeStruct((n, d), jnp.float32),
    )(acc, acc, y, dis, brow)
    return out

# --- scband reference (transcript-rebuilt; emitter-appended) ---
"""Pipeline reference for scband-gcnconv-with-time-and-condition-5858335392214 (READ-ONLY COPY).

The authoritative reference and input builder live on the scoring server;
editing this copy changes nothing except your own understanding.
"""

import jax, jax.numpy as jnp
import numpy as np

N = 10000
E = 320000
D_IN = 128
D_OUT = 128
T_CH = 128
C_CH = 128


def setup_inputs(seed: int = 0) -> dict:
    key = jax.random.key(seed)
    ks = jax.random.split(key, 10)
    x = jax.random.normal(ks[0], (N, D_IN), dtype=jnp.float32)
    t_emb = jax.random.normal(ks[1], (T_CH,), dtype=jnp.float32)
    c_emb = jax.random.normal(ks[2], (C_CH,), dtype=jnp.float32)
    edge_index = jax.random.randint(ks[3], (2, E), 0, N, dtype=jnp.int32)
    # GCNConv params: lin weight (no bias in lin) + separate bias
    W = jax.random.normal(ks[4], (D_IN, D_OUT), dtype=jnp.float32) * (1.0 / np.sqrt(D_IN))
    b = jnp.zeros((D_OUT,), dtype=jnp.float32)
    # time_proj Linear(time_channels, out_channels)
    tW = jax.random.normal(ks[5], (T_CH, D_OUT), dtype=jnp.float32) * (1.0 / np.sqrt(T_CH))
    tb = jax.random.normal(ks[6], (D_OUT,), dtype=jnp.float32) * 0.01
    # condition_proj Linear(condition_channels, out_channels)
    cW = jax.random.normal(ks[7], (C_CH, D_OUT), dtype=jnp.float32) * (1.0 / np.sqrt(C_CH))
    cb = jax.random.normal(ks[8], (D_OUT,), dtype=jnp.float32) * 0.01
    return {"x": x, "t_emb": t_emb, "c_emb": c_emb, "edge_index": edge_index,
            "W": W, "b": b, "tW": tW, "tb": tb, "cW": cW, "cb": cb}


def _gcn_conv(x, edge_index, W, b):
    # PyG GCNConv: add self-loops, symmetric normalization, x @ W, scatter-add to dst, + bias
    n = x.shape[0]
    loop = jnp.arange(n, dtype=edge_index.dtype)
    src = jnp.concatenate([edge_index[0], loop])
    dst = jnp.concatenate([edge_index[1], loop])
    ew = jnp.ones(src.shape[0], dtype=x.dtype)
    deg = jnp.zeros((n,), dtype=x.dtype).at[dst].add(ew)
    deg_inv_sqrt = jnp.where(deg > 0, deg ** -0.5, 0.0)
    norm = deg_inv_sqrt[src] * deg_inv_sqrt[dst]
    xw = x @ W
    msg = xw[src] * norm[:, None]
    out = jnp.zeros((n, W.shape[1]), dtype=x.dtype).at[dst].add(msg)
    return out + b


def reference(x, t_emb, c_emb, edge_index, W, b, tW, tb, cW, cb):
    h = _gcn_conv(x, edge_index, W, b)
    time_emb = t_emb @ tW + tb   # shape (D_OUT,), 1-D so no unsqueeze branch
    cond_emb = c_emb @ cW + cb   # shape (D_OUT,)
    return h + time_emb + cond_emb

if __name__ == "__main__":
    import jax
    _d = setup_inputs()
    print(jax.jit(kernel)(*tuple(_d.values())))

</pallas_src>

<mosaic_0001>
#map = affine_map<(d0, d1) -> (0, 0, 0)>
#map1 = affine_map<(d0, d1) -> (0, 0)>
module attributes {stable_mosaic.version = 14 : i64} {
  func.func @hist_kernel(%arg0: i32, %arg1: i32, %arg2: memref<32x79x128xi32, #tpu.memory_space<hbm>>, %arg3: memref<128x128xf32, #tpu.memory_space<hbm>>, %arg4: memref<640x128xf32, #tpu.memory_space<hbm>>, %arg5: memref<2x10240x128xf32, #tpu.memory_space<hbm>>, %arg6: memref<79x128xi32, #tpu.memory_space<vmem>>, %arg7: memref<128x128xf32, #tpu.memory_space<vmem>>, %arg8: memref<10240x128xf32, #tpu.memory_space<vmem_shared>>) attributes {dimension_semantics = [#tpu.dimension_semantics<core_parallel>, #tpu.dimension_semantics<subcore_parallel>], iteration_bounds = array<i64: 2, 16>, scalar_prefetch = 0 : i64, scratch_operands = 3 : i64, tpu.core_type = #tpu.core_type<sc_vector_subcore>, window_params = [{transform_indices = #map}, {transform_indices = #map1}, {transform_indices = #map1}, {transform_indices = #map}]} {
    %mul3A = arith.constant 16 : i32
    %mul3A_0 = arith.muli %arg0, %mul3A : i32
    %add3A = arith.addi %mul3A_0, %arg1 : i32
    %mul3A_1 = arith.constant 640 : i32
    %mul3A_2 = arith.muli %arg1, %mul3A_1 : i32
    "tpu.region"() ({
      %run_scoped3A = tpu.sem_alloc : memref<!tpu.dma_semaphore, #tpu.memory_space<semaphore_mem>>
      %dma_start3A = arith.constant 0 : i32
      %dma_start3A_13 = tpu.memref_slice %arg8[%mul3A_2, %dma_start3A] : memref<10240x128xf32, #tpu.memory_space<vmem_shared>> -> memref<640x128xf32, #tpu.memory_space<vmem_shared>>
      tpu.enqueue_dma source(%arg4 : memref<640x128xf32, #tpu.memory_space<hbm>>) target(%dma_start3A_13 : memref<640x128xf32, #tpu.memory_space<vmem_shared>>) target_semaphore(%run_scoped3A : memref<!tpu.dma_semaphore, #tpu.memory_space<semaphore_mem>>)
      %dma_wait3A = arith.constant 0 : i32
      %dma_wait3A_14 = tpu.memref_slice %arg8[%mul3A_2, %dma_wait3A] : memref<10240x128xf32, #tpu.memory_space<vmem_shared>> -> memref<640x128xf32, #tpu.memory_space<vmem_shared>>
      tpu.wait_dma2 semaphore(%run_scoped3A : memref<!tpu.dma_semaphore, #tpu.memory_space<semaphore_mem>>) src(%arg4 : memref<640x128xf32, #tpu.memory_space<hbm>>) dst(%dma_wait3A_14 : memref<640x128xf32, #tpu.memory_space<vmem_shared>>)
      tpu.yield
    }) : () -> ()
    "tpu.region"() ({
      %run_scoped3A = tpu.sem_alloc : memref<!tpu.dma_semaphore, #tpu.memory_space<semaphore_mem>>
      %dma_start3A = arith.constant 0 : i32
      %dma_start3A_13 = arith.constant 0 : i32
      %dma_start3A_14 = tpu.memref_slice %arg2[%add3A, %dma_start3A, %dma_start3A_13] : memref<32x79x128xi32, #tpu.memory_space<hbm>> -> memref<1x79x128xi32, #tpu.memory_space<hbm>>
      %dma_start3A_15 = tpu.memref_squeeze %dma_start3A_14 : memref<1x79x128xi32, #tpu.memory_space<hbm>> -> memref<79x128xi32, #tpu.memory_space<hbm>>
      %dma_start3A_16 = arith.constant 0 : i32
      %dma_start3A_17 = arith.constant 0 : i32
      %dma_start3A_18 = tpu.memref_slice %arg2[%add3A, %dma_start3A_16, %dma_start3A_17] : memref<32x79x128xi32, #tpu.memory_space<hbm>> -> memref<1x79x128xi32, #tpu.memory_space<hbm>>
      %dma_start3A_19 = tpu.memref_squeeze %dma_start3A_18 : memref<1x79x128xi32, #tpu.memory_space<hbm>> -> memref<79x128xi32, #tpu.memory_space<hbm>>
      tpu.enqueue_dma source(%dma_start3A_19 : memref<79x128xi32, #tpu.memory_space<hbm>>) target(%arg6 : memref<79x128xi32, #tpu.memory_space<vmem>>) target_semaphore(%run_scoped3A : memref<!tpu.dma_semaphore, #tpu.memory_space<semaphore_mem>>)
      %dma_wait3A = arith.constant 0 : i32
      %dma_wait3A_20 = arith.constant 0 : i32
      %dma_wait3A_21 = tpu.memref_slice %arg2[%add3A, %dma_wait3A, %dma_wait3A_20] : memref<32x79x128xi32, #tpu.memory_space<hbm>> -> memref<1x79x128xi32, #tpu.memory_space<hbm>>
      %dma_wait3A_22 = tpu.memref_squeeze %dma_wait3A_21 : memref<1x79x128xi32, #tpu.memory_space<hbm>> -> memref<79x128xi32, #tpu.memory_space<hbm>>
      %dma_wait3A_23 = arith.constant 0 : i32
      %dma_wait3A_24 = arith.constant 0 : i32
      %dma_wait3A_25 = tpu.memref_slice %arg2[%add3A, %dma_wait3A_23, %dma_wait3A_24] : memref<32x79x128xi32, #tpu.memory_space<hbm>> -> memref<1x79x128xi32, #tpu.memory_space<hbm>>
      %dma_wait3A_26 = tpu.memref_squeeze %dma_wait3A_25 : memref<1x79x128xi32, #tpu.memory_space<hbm>> -> memref<79x128xi32, #tpu.memory_space<hbm>>
      tpu.wait_dma2 semaphore(%run_scoped3A : memref<!tpu.dma_semaphore, #tpu.memory_space<semaphore_mem>>) src(%dma_wait3A_26 : memref<79x128xi32, #tpu.memory_space<hbm>>) dst(%arg6 : memref<79x128xi32, #tpu.memory_space<vmem>>)
      tpu.yield
    }) : () -> ()
    "tpu.region"() ({
      %run_scoped3A = tpu.sem_alloc : memref<!tpu.dma_semaphore, #tpu.memory_space<semaphore_mem>>
      tpu.enqueue_dma source(%arg3 : memref<128x128xf32, #tpu.memory_space<hbm>>) target(%arg7 : memref<128x128xf32, #tpu.memory_space<vmem>>) target_semaphore(%run_scoped3A : memref<!tpu.dma_semaphore, #tpu.memory_space<semaphore_mem>>)
      tpu.wait_dma2 semaphore(%run_scoped3A : memref<!tpu.dma_semaphore, #tpu.memory_space<semaphore_mem>>) src(%arg3 : memref<128x128xf32, #tpu.memory_space<hbm>>) dst(%arg7 : memref<128x128xf32, #tpu.memory_space<vmem>>)
      tpu.yield
    }) : () -> ()
    %barrier3A = arith.constant 0 : index
    tpu.barrier barrier_id(%barrier3A)
    %scan3A = arith.constant 0 : i32
    %scan3A_3 = arith.constant 0 : i32
    %scan3A_4 = arith.constant 79 : i32
    %scan3A_5 = arith.addi %scan3A_3, %scan3A_4 : i32
    %scan3A_6 = arith.constant 1 : i32
    scf.for %scan3A_13 = %scan3A_3 to %scan3A_5 step %scan3A_6  : i32 {
      "tpu.region"() ({
        %run_scoped3A = tpu.sem_alloc : memref<!tpu.dma_semaphore, #tpu.memory_space<semaphore_mem>>
        %dma_start3A = arith.constant 0 : i32
        %dma_start3A_14 = tpu.memref_slice %arg6[%scan3A_13, %dma_start3A] : memref<79x128xi32, #tpu.memory_space<vmem>> -> memref<1x128xi32, #tpu.memory_space<vmem>>
        %dma_start3A_15 = tpu.memref_squeeze %dma_start3A_14 : memref<1x128xi32, #tpu.memory_space<vmem>> -> memref<128xi32, #tpu.memory_space<vmem>>
        %dma_start3A_16 = arith.constant 0 : i32
        %dma_start3A_17 = arith.constant 0 : i32
        %dma_start3A_18 = tpu.memref_slice %arg8[%dma_start3A_16, %dma_start3A_17] : memref<10240x128xf32, #tpu.memory_space<vmem_shared>> -> memref<10240x128xf32, #tpu.memory_space<vmem_shared>>
        tpu.enqueue_indirect_dma source(%arg7 : memref<128x128xf32, #tpu.memory_space<vmem>>) target(%dma_start3A_18 : memref<10240x128xf32, #tpu.memory_space<vmem_shared>>) offsets(%dma_start3A_15 : memref<128xi32, #tpu.memory_space<vmem>>) semaphore(%run_scoped3A : memref<!tpu.dma_semaphore, #tpu.memory_space<semaphore_mem>>) {add = true}
        %dma_wait3A = arith.constant 0 : i32
        %dma_wait3A_19 = tpu.memref_slice %arg6[%scan3A_13, %dma_wait3A] : memref<79x128xi32, #tpu.memory_space<vmem>> -> memref<1x128xi32, #tpu.memory_space<vmem>>
        %dma_wait3A_20 = tpu.memref_squeeze %dma_wait3A_19 : memref<1x128xi32, #tpu.memory_space<vmem>> -> memref<128xi32, #tpu.memory_space<vmem>>
        %dma_wait3A_21 = arith.constant 0 : i32
        %dma_wait3A_22 = arith.constant 0 : i32
        %dma_wait3A_23 = tpu.memref_slice %arg8[%dma_wait3A_21, %dma_wait3A_22] : memref<10240x128xf32, #tpu.memory_space<vmem_shared>> -> memref<10240x128xf32, #tpu.memory_space<vmem_shared>>
        tpu.wait_indirect_dma semaphore(%run_scoped3A : memref<!tpu.dma_semaphore, #tpu.memory_space<semaphore_mem>>) src(%arg7 : memref<128x128xf32, #tpu.memory_space<vmem>>) dst(%dma_wait3A_23 : memref<10240x128xf32, #tpu.memory_space<vmem_shared>>)
        tpu.yield
      }) : () -> ()
    }
    %scan3A_7 = arith.constant 79 : i32
    %barrier3A_8 = arith.constant 0 : index
    tpu.barrier barrier_id(%barrier3A_8)
    %mul3A_9 = arith.constant 640 : i32
    %mul3A_10 = arith.muli %arg1, %mul3A_9 : i32
    %mul3A_11 = arith.constant 640 : i32
    %mul3A_12 = arith.muli %arg1, %mul3A_11 : i32
    "tpu.region"() ({
      %run_scoped3A = tpu.sem_alloc : memref<!tpu.dma_semaphore, #tpu.memory_space<semaphore_mem>>
      %dma_start3A = arith.constant 0 : i32
      %dma_start3A_13 = tpu.memref_slice %arg5[%arg0, %mul3A_12, %dma_start3A] : memref<2x10240x128xf32, #tpu.memory_space<hbm>> -> memref<1x640x128xf32, #tpu.memory_space<hbm>>
      %dma_start3A_14 = tpu.memref_squeeze %dma_start3A_13 : memref<1x640x128xf32, #tpu.memory_space<hbm>> -> memref<640x128xf32, #tpu.memory_space<hbm>>
      %dma_start3A_15 = arith.constant 0 : i32
      %dma_start3A_16 = tpu.memref_slice %arg8[%mul3A_10, %dma_start3A_15] : memref<10240x128xf32, #tpu.memory_space<vmem_shared>> -> memref<640x128xf32, #tpu.memory_space<vmem_shared>>
      tpu.enqueue_dma source(%dma_start3A_16 : memref<640x128xf32, #tpu.memory_space<vmem_shared>>) target(%dma_start3A_14 : memref<640x128xf32, #tpu.memory_space<hbm>>) target_semaphore(%run_scoped3A : memref<!tpu.dma_semaphore, #tpu.memory_space<semaphore_mem>>)
      %dma_wait3A = arith.constant 0 : i32
      %dma_wait3A_17 = tpu.memref_slice %arg5[%arg0, %mul3A_12, %dma_wait3A] : memref<2x10240x128xf32, #tpu.memory_space<hbm>> -> memref<1x640x128xf32, #tpu.memory_space<hbm>>
      %dma_wait3A_18 = tpu.memref_squeeze %dma_wait3A_17 : memref<1x640x128xf32, #tpu.memory_space<hbm>> -> memref<640x128xf32, #tpu.memory_space<hbm>>
      %dma_wait3A_19 = arith.constant 0 : i32
      %dma_wait3A_20 = tpu.memref_slice %arg8[%mul3A_10, %dma_wait3A_19] : memref<10240x128xf32, #tpu.memory_space<vmem_shared>> -> memref<640x128xf32, #tpu.memory_space<vmem_shared>>
      tpu.wait_dma2 semaphore(%run_scoped3A : memref<!tpu.dma_semaphore, #tpu.memory_space<semaphore_mem>>) src(%dma_wait3A_20 : memref<640x128xf32, #tpu.memory_space<vmem_shared>>) dst(%dma_wait3A_18 : memref<640x128xf32, #tpu.memory_space<hbm>>)
      tpu.yield
    }) : () -> ()
    return
  }
}

#map = affine_map<(d0, d1) -> (0, 0, 0)>
#map1 = affine_map<(d0, d1) -> (0, 0)>
module attributes {stable_mosaic.version = 14 : i64} {
  func.func @msg_kernel(%arg0: i32, %arg1: i32, %arg2: memref<32x91x128xi32, #tpu.memory_space<hbm>>, %arg3: memref<32x91x128xi32, #tpu.memory_space<hbm>>, %arg4: memref<10000x128xf32, #tpu.memory_space<hbm>>, %arg5: memref<640x128xf32, #tpu.memory_space<hbm>>, %arg6: memref<2x10240x128xf32, #tpu.memory_space<hbm>>, %arg7: memref<91x128xi32, #tpu.memory_space<vmem>>, %arg8: memref<91x128xi32, #tpu.memory_space<vmem>>, %arg9: memref<128x128xf32, #tpu.memory_space<vmem>>, %arg10: memref<10240x128xf32, #tpu.memory_space<vmem_shared>>, %arg11: memref<!tpu.dma_semaphore, #tpu.memory_space<semaphore_mem>>) attributes {dimension_semantics = [#tpu.dimension_semantics<core_parallel>, #tpu.dimension_semantics<subcore_parallel>], iteration_bounds = array<i64: 2, 16>, scalar_prefetch = 0 : i64, scratch_operands = 5 : i64, tpu.core_type = #tpu.core_type<sc_vector_subcore>, window_params = [{transform_indices = #map}, {transform_indices = #map}, {transform_indices = #map1}, {transform_indices = #map1}, {transform_indices = #map}]} {
    %mul3A = arith.constant 16 : i32
    %mul3A_0 = arith.muli %arg0, %mul3A : i32
    %add3A = arith.addi %mul3A_0, %arg1 : i32
    %eq3A = arith.constant 0 : i32
    %eq3A_1 = arith.cmpi eq, %arg0, %eq3A : i32
    %jit3A = arith.constant 91 : i32
    %jit3A_2 = arith.constant 67 : i32
    %select_n3A = arith.select %eq3A_1, %jit3A, %jit3A_2 : i32
    %mul3A_3 = arith.constant 640 : i32
    %mul3A_4 = arith.muli %arg1, %mul3A_3 : i32
    "tpu.region"() ({
      %run_scoped3A = tpu.sem_alloc : memref<!tpu.dma_semaphore, #tpu.memory_space<semaphore_mem>>
      %dma_start3A = arith.constant 0 : i32
      %dma_start3A_19 = tpu.memref_slice %arg10[%mul3A_4, %dma_start3A] : memref<10240x128xf32, #tpu.memory_space<vmem_shared>> -> memref<640x128xf32, #tpu.memory_space<vmem_shared>>
      tpu.enqueue_dma source(%arg5 : memref<640x128xf32, #tpu.memory_space<hbm>>) target(%dma_start3A_19 : memref<640x128xf32, #tpu.memory_space<vmem_shared>>) target_semaphore(%run_scoped3A : memref<!tpu.dma_semaphore, #tpu.memory_space<semaphore_mem>>)
      %dma_wait3A = arith.constant 0 : i32
      %dma_wait3A_20 = tpu.memref_slice %arg10[%mul3A_4, %dma_wait3A] : memref<10240x128xf32, #tpu.memory_space<vmem_shared>> -> memref<640x128xf32, #tpu.memory_space<vmem_shared>>
      tpu.wait_dma2 semaphore(%run_scoped3A : memref<!tpu.dma_semaphore, #tpu.memory_space<semaphore_mem>>) src(%arg5 : memref<640x128xf32, #tpu.memory_space<hbm>>) dst(%dma_wait3A_20 : memref<640x128xf32, #tpu.memory_space<vmem_shared>>)
      tpu.yield
    }) : () -> ()
    "tpu.region"() ({
      %run_scoped3A = tpu.sem_alloc : memref<!tpu.dma_semaphore, #tpu.memory_space<semaphore_mem>>
      %dma_start3A = arith.constant 0 : i32
      %dma_start3A_19 = arith.constant 0 : i32
      %dma_start3A_20 = tpu.memref_slice %arg2[%add3A, %dma_start3A, %dma_start3A_19] : memref<32x91x128xi32, #tpu.memory_space<hbm>> -> memref<1x91x128xi32, #tpu.memory_space<hbm>>
      %dma_start3A_21 = tpu.memref_squeeze %dma_start3A_20 : memref<1x91x128xi32, #tpu.memory_space<hbm>> -> memref<91x128xi32, #tpu.memory_space<hbm>>
      %dma_start3A_22 = arith.constant 0 : i32
      %dma_start3A_23 = arith.constant 0 : i32
      %dma_start3A_24 = tpu.memref_slice %arg2[%add3A, %dma_start3A_22, %dma_start3A_23] : memref<32x91x128xi32, #tpu.memory_space<hbm>> -> memref<1x91x128xi32, #tpu.memory_space<hbm>>
      %dma_start3A_25 = tpu.memref_squeeze %dma_start3A_24 : memref<1x91x128xi32, #tpu.memory_space<hbm>> -> memref<91x128xi32, #tpu.memory_space<hbm>>
      tpu.enqueue_dma source(%dma_start3A_25 : memref<91x128xi32, #tpu.memory_space<hbm>>) target(%arg7 : memref<91x128xi32, #tpu.memory_space<vmem>>) target_semaphore(%run_scoped3A : memref<!tpu.dma_semaphore, #tpu.memory_space<semaphore_mem>>)
      %dma_wait3A = arith.constant 0 : i32
      %dma_wait3A_26 = arith.constant 0 : i32
      %dma_wait3A_27 = tpu.memref_slice %arg2[%add3A, %dma_wait3A, %dma_wait3A_26] : memref<32x91x128xi32, #tpu.memory_space<hbm>> -> memref<1x91x128xi32, #tpu.memory_space<hbm>>
      %dma_wait3A_28 = tpu.memref_squeeze %dma_wait3A_27 : memref<1x91x128xi32, #tpu.memory_space<hbm>> -> memref<91x128xi32, #tpu.memory_space<hbm>>
      %dma_wait3A_29 = arith.constant 0 : i32
      %dma_wait3A_30 = arith.constant 0 : i32
      %dma_wait3A_31 = tpu.memref_slice %arg2[%add3A, %dma_wait3A_29, %dma_wait3A_30] : memref<32x91x128xi32, #tpu.memory_space<hbm>> -> memref<1x91x128xi32, #tpu.memory_space<hbm>>
      %dma_wait3A_32 = tpu.memref_squeeze %dma_wait3A_31 : memref<1x91x128xi32, #tpu.memory_space<hbm>> -> memref<91x128xi32, #tpu.memory_space<hbm>>
      tpu.wait_dma2 semaphore(%run_scoped3A : memref<!tpu.dma_semaphore, #tpu.memory_space<semaphore_mem>>) src(%dma_wait3A_32 : memref<91x128xi32, #tpu.memory_space<hbm>>) dst(%arg7 : memref<91x128xi32, #tpu.memory_space<vmem>>)
      tpu.yield
    }) : () -> ()
    "tpu.region"() ({
      %run_scoped3A = tpu.sem_alloc : memref<!tpu.dma_semaphore, #tpu.memory_space<semaphore_mem>>
      %dma_start3A = arith.constant 0 : i32
      %dma_start3A_19 = arith.constant 0 : i32
      %dma_start3A_20 = tpu.memref_slice %arg3[%add3A, %dma_start3A, %dma_start3A_19] : memref<32x91x128xi32, #tpu.memory_space<hbm>> -> memref<1x91x128xi32, #tpu.memory_space<hbm>>
      %dma_start3A_21 = tpu.memref_squeeze %dma_start3A_20 : memref<1x91x128xi32, #tpu.memory_space<hbm>> -> memref<91x128xi32, #tpu.memory_space<hbm>>
      %dma_start3A_22 = arith.constant 0 : i32
      %dma_start3A_23 = arith.constant 0 : i32
      %dma_start3A_24 = tpu.memref_slice %arg3[%add3A, %dma_start3A_22, %dma_start3A_23] : memref<32x91x128xi32, #tpu.memory_space<hbm>> -> memref<1x91x128xi32, #tpu.memory_space<hbm>>
      %dma_start3A_25 = tpu.memref_squeeze %dma_start3A_24 : memref<1x91x128xi32, #tpu.memory_space<hbm>> -> memref<91x128xi32, #tpu.memory_space<hbm>>
      tpu.enqueue_dma source(%dma_start3A_25 : memref<91x128xi32, #tpu.memory_space<hbm>>) target(%arg8 : memref<91x128xi32, #tpu.memory_space<vmem>>) target_semaphore(%run_scoped3A : memref<!tpu.dma_semaphore, #tpu.memory_space<semaphore_mem>>)
      %dma_wait3A = arith.constant 0 : i32
      %dma_wait3A_26 = arith.constant 0 : i32
      %dma_wait3A_27 = tpu.memref_slice %arg3[%add3A, %dma_wait3A, %dma_wait3A_26] : memref<32x91x128xi32, #tpu.memory_space<hbm>> -> memref<1x91x128xi32, #tpu.memory_space<hbm>>
      %dma_wait3A_28 = tpu.memref_squeeze %dma_wait3A_27 : memref<1x91x128xi32, #tpu.memory_space<hbm>> -> memref<91x128xi32, #tpu.memory_space<hbm>>
      %dma_wait3A_29 = arith.constant 0 : i32
      %dma_wait3A_30 = arith.constant 0 : i32
      %dma_wait3A_31 = tpu.memref_slice %arg3[%add3A, %dma_wait3A_29, %dma_wait3A_30] : memref<32x91x128xi32, #tpu.memory_space<hbm>> -> memref<1x91x128xi32, #tpu.memory_space<hbm>>
      %dma_wait3A_32 = tpu.memref_squeeze %dma_wait3A_31 : memref<1x91x128xi32, #tpu.memory_space<hbm>> -> memref<91x128xi32, #tpu.memory_space<hbm>>
      tpu.wait_dma2 semaphore(%run_scoped3A : memref<!tpu.dma_semaphore, #tpu.memory_space<semaphore_mem>>) src(%dma_wait3A_32 : memref<91x128xi32, #tpu.memory_space<hbm>>) dst(%arg8 : memref<91x128xi32, #tpu.memory_space<vmem>>)
      tpu.yield
    }) : () -> ()
    %barrier3A = arith.constant 0 : index
    tpu.barrier barrier_id(%barrier3A)
    %while3A = arith.constant 0 : i32
    %while3A_5 = arith.constant 0 : i32
    %while3A_6 = arith.subi %select_n3A, %while3A_5 : i32
    %while3A_7 = arith.addi %while3A_5, %while3A_6 : i32
    %while3A_8 = arith.constant 1 : i32
    %while3A_9 = arith.divsi %while3A_6, %while3A_8 : i32
    %while3A_10 = arith.muli %while3A_9, %while3A_8 : i32
    %while3A_11 = arith.addi %while3A_5, %while3A_10 : i32
    %while3A_12 = arith.constant 1 : i32
    scf.for %while3A_19 = %while3A_5 to %while3A_11 step %while3A_12  : i32 {
      %dma_start3A = arith.constant 0 : i32
      %dma_start3A_20 = tpu.memref_slice %arg7[%while3A_19, %dma_start3A] : memref<91x128xi32, #tpu.memory_space<vmem>> -> memref<1x128xi32, #tpu.memory_space<vmem>>
      %dma_start3A_21 = tpu.memref_squeeze %dma_start3A_20 : memref<1x128xi32, #tpu.memory_space<vmem>> -> memref<128xi32, #tpu.memory_space<vmem>>
      %dma_start3A_22 = arith.constant 0 : i32
      %dma_start3A_23 = arith.constant 0 : i32
      %dma_start3A_24 = tpu.memref_slice %arg4[%dma_start3A_22, %dma_start3A_23] : memref<10000x128xf32, #tpu.memory_space<hbm>> -> memref<10000x128xf32, #tpu.memory_space<hbm>>
      tpu.enqueue_indirect_dma source(%dma_start3A_24 : memref<10000x128xf32, #tpu.memory_space<hbm>>) target(%arg9 : memref<128x128xf32, #tpu.memory_space<vmem>>) offsets(%dma_start3A_21 : memref<128xi32, #tpu.memory_space<vmem>>) semaphore(%arg11 : memref<!tpu.dma_semaphore, #tpu.memory_space<semaphore_mem>>)
      %dma_wait3A = arith.constant 0 : i32
      %dma_wait3A_25 = tpu.memref_slice %arg7[%while3A_19, %dma_wait3A] : memref<91x128xi32, #tpu.memory_space<vmem>> -> memref<1x128xi32, #tpu.memory_space<vmem>>
      %dma_wait3A_26 = tpu.memref_squeeze %dma_wait3A_25 : memref<1x128xi32, #tpu.memory_space<vmem>> -> memref<128xi32, #tpu.memory_space<vmem>>
      %dma_wait3A_27 = arith.constant 0 : i32
      %dma_wait3A_28 = arith.constant 0 : i32
      %dma_wait3A_29 = tpu.memref_slice %arg4[%dma_wait3A_27, %dma_wait3A_28] : memref<10000x128xf32, #tpu.memory_space<hbm>> -> memref<10000x128xf32, #tpu.memory_space<hbm>>
      tpu.wait_indirect_dma semaphore(%arg11 : memref<!tpu.dma_semaphore, #tpu.memory_space<semaphore_mem>>) src(%dma_wait3A_29 : memref<10000x128xf32, #tpu.memory_space<hbm>>) dst(%arg9 : memref<128x128xf32, #tpu.memory_space<vmem>>)
      "tpu.region"() ({
        %run_scoped3A = tpu.sem_alloc : memref<!tpu.dma_semaphore, #tpu.memory_space<semaphore_mem>>
        %dma_start3A_30 = arith.constant 0 : i32
        %dma_start3A_31 = tpu.memref_slice %arg8[%while3A_19, %dma_start3A_30] : memref<91x128xi32, #tpu.memory_space<vmem>> -> memref<1x128xi32, #tpu.memory_space<vmem>>
        %dma_start3A_32 = tpu.memref_squeeze %dma_start3A_31 : memref<1x128xi32, #tpu.memory_space<vmem>> -> memref<128xi32, #tpu.memory_space<vmem>>
        %dma_start3A_33 = arith.constant 0 : i32
        %dma_start3A_34 = arith.constant 0 : i32
        %dma_start3A_35 = tpu.memref_slice %arg10[%dma_start3A_33, %dma_start3A_34] : memref<10240x128xf32, #tpu.memory_space<vmem_shared>> -> memref<10240x128xf32, #tpu.memory_space<vmem_shared>>
        tpu.enqueue_indirect_dma source(%arg9 : memref<128x128xf32, #tpu.memory_space<vmem>>) target(%dma_start3A_35 : memref<10240x128xf32, #tpu.memory_space<vmem_shared>>) offsets(%dma_start3A_32 : memref<128xi32, #tpu.memory_space<vmem>>) semaphore(%run_scoped3A : memref<!tpu.dma_semaphore, #tpu.memory_space<semaphore_mem>>) {add = true}
        %dma_wait3A_36 = arith.constant 0 : i32
        %dma_wait3A_37 = tpu.memref_slice %arg8[%while3A_19, %dma_wait3A_36] : memref<91x128xi32, #tpu.memory_space<vmem>> -> memref<1x128xi32, #tpu.memory_space<vmem>>
        %dma_wait3A_38 = tpu.memref_squeeze %dma_wait3A_37 : memref<1x128xi32, #tpu.memory_space<vmem>> -> memref<128xi32, #tpu.memory_space<vmem>>
        %dma_wait3A_39 = arith.constant 0 : i32
        %dma_wait3A_40 = arith.constant 0 : i32
        %dma_wait3A_41 = tpu.memref_slice %arg10[%dma_wait3A_39, %dma_wait3A_40] : memref<10240x128xf32, #tpu.memory_space<vmem_shared>> -> memref<10240x128xf32, #tpu.memory_space<vmem_shared>>
        tpu.wait_indirect_dma semaphore(%run_scoped3A : memref<!tpu.dma_semaphore, #tpu.memory_space<semaphore_mem>>) src(%arg9 : memref<128x128xf32, #tpu.memory_space<vmem>>) dst(%dma_wait3A_41 : memref<10240x128xf32, #tpu.memory_space<vmem_shared>>)
        tpu.yield
      }) : () -> ()
    }
    %while3A_13 = arith.constant 1 : i32
    scf.for %while3A_19 = %while3A_11 to %while3A_7 step %while3A_13  : i32 {
      %dma_start3A = arith.constant 0 : i32
      %dma_start3A_20 = tpu.memref_slice %arg7[%while3A_19, %dma_start3A] : memref<91x128xi32, #tpu.memory_space<vmem>> -> memref<1x128xi32, #tpu.memory_space<vmem>>
      %dma_start3A_21 = tpu.memref_squeeze %dma_start3A_20 : memref<1x128xi32, #tpu.memory_space<vmem>> -> memref<128xi32, #tpu.memory_space<vmem>>
      %dma_start3A_22 = arith.constant 0 : i32
      %dma_start3A_23 = arith.constant 0 : i32
      %dma_start3A_24 = tpu.memref_slice %arg4[%dma_start3A_22, %dma_start3A_23] : memref<10000x128xf32, #tpu.memory_space<hbm>> -> memref<10000x128xf32, #tpu.memory_space<hbm>>
      tpu.enqueue_indirect_dma source(%dma_start3A_24 : memref<10000x128xf32, #tpu.memory_space<hbm>>) target(%arg9 : memref<128x128xf32, #tpu.memory_space<vmem>>) offsets(%dma_start3A_21 : memref<128xi32, #tpu.memory_space<vmem>>) semaphore(%arg11 : memref<!tpu.dma_semaphore, #tpu.memory_space<semaphore_mem>>)
      %dma_wait3A = arith.constant 0 : i32
      %dma_wait3A_25 = tpu.memref_slice %arg7[%while3A_19, %dma_wait3A] : memref<91x128xi32, #tpu.memory_space<vmem>> -> memref<1x128xi32, #tpu.memory_space<vmem>>
      %dma_wait3A_26 = tpu.memref_squeeze %dma_wait3A_25 : memref<1x128xi32, #tpu.memory_space<vmem>> -> memref<128xi32, #tpu.memory_space<vmem>>
      %dma_wait3A_27 = arith.constant 0 : i32
      %dma_wait3A_28 = arith.constant 0 : i32
      %dma_wait3A_29 = tpu.memref_slice %arg4[%dma_wait3A_27, %dma_wait3A_28] : memref<10000x128xf32, #tpu.memory_space<hbm>> -> memref<10000x128xf32, #tpu.memory_space<hbm>>
      tpu.wait_indirect_dma semaphore(%arg11 : memref<!tpu.dma_semaphore, #tpu.memory_space<semaphore_mem>>) src(%dma_wait3A_29 : memref<10000x128xf32, #tpu.memory_space<hbm>>) dst(%arg9 : memref<128x128xf32, #tpu.memory_space<vmem>>)
      "tpu.region"() ({
        %run_scoped3A = tpu.sem_alloc : memref<!tpu.dma_semaphore, #tpu.memory_space<semaphore_mem>>
        %dma_start3A_30 = arith.constant 0 : i32
        %dma_start3A_31 = tpu.memref_slice %arg8[%while3A_19, %dma_start3A_30] : memref<91x128xi32, #tpu.memory_space<vmem>> -> memref<1x128xi32, #tpu.memory_space<vmem>>
        %dma_start3A_32 = tpu.memref_squeeze %dma_start3A_31 : memref<1x128xi32, #tpu.memory_space<vmem>> -> memref<128xi32, #tpu.memory_space<vmem>>
        %dma_start3A_33 = arith.constant 0 : i32
        %dma_start3A_34 = arith.constant 0 : i32
        %dma_start3A_35 = tpu.memref_slice %arg10[%dma_start3A_33, %dma_start3A_34] : memref<10240x128xf32, #tpu.memory_space<vmem_shared>> -> memref<10240x128xf32, #tpu.memory_space<vmem_shared>>
        tpu.enqueue_indirect_dma source(%arg9 : memref<128x128xf32, #tpu.memory_space<vmem>>) target(%dma_start3A_35 : memref<10240x128xf32, #tpu.memory_space<vmem_shared>>) offsets(%dma_start3A_32 : memref<128xi32, #tpu.memory_space<vmem>>) semaphore(%run_scoped3A : memref<!tpu.dma_semaphore, #tpu.memory_space<semaphore_mem>>) {add = true}
        %dma_wait3A_36 = arith.constant 0 : i32
        %dma_wait3A_37 = tpu.memref_slice %arg8[%while3A_19, %dma_wait3A_36] : memref<91x128xi32, #tpu.memory_space<vmem>> -> memref<1x128xi32, #tpu.memory_space<vmem>>
        %dma_wait3A_38 = tpu.memref_squeeze %dma_wait3A_37 : memref<1x128xi32, #tpu.memory_space<vmem>> -> memref<128xi32, #tpu.memory_space<vmem>>
        %dma_wait3A_39 = arith.constant 0 : i32
        %dma_wait3A_40 = arith.constant 0 : i32
        %dma_wait3A_41 = tpu.memref_slice %arg10[%dma_wait3A_39, %dma_wait3A_40] : memref<10240x128xf32, #tpu.memory_space<vmem_shared>> -> memref<10240x128xf32, #tpu.memory_space<vmem_shared>>
        tpu.wait_indirect_dma semaphore(%run_scoped3A : memref<!tpu.dma_semaphore, #tpu.memory_space<semaphore_mem>>) src(%arg9 : memref<128x128xf32, #tpu.memory_space<vmem>>) dst(%dma_wait3A_41 : memref<10240x128xf32, #tpu.memory_space<vmem_shared>>)
        tpu.yield
      }) : () -> ()
    }
    %barrier3A_14 = arith.constant 0 : index
    tpu.barrier barrier_id(%barrier3A_14)
    %mul3A_15 = arith.constant 640 : i32
    %mul3A_16 = arith.muli %arg1, %mul3A_15 : i32
    %mul3A_17 = arith.constant 640 : i32
    %mul3A_18 = arith.muli %arg1, %mul3A_17 : i32
    "tpu.region"() ({
      %run_scoped3A = tpu.sem_alloc : memref<!tpu.dma_semaphore, #tpu.memory_space<semaphore_mem>>
      %dma_start3A = arith.constant 0 : i32
      %dma_start3A_19 = tpu.memref_slice %arg6[%arg0, %mul3A_18, %dma_start3A] : memref<2x10240x128xf32, #tpu.memory_space<hbm>> -> memref<1x640x128xf32, #tpu.memory_space<hbm>>
      %dma_start3A_20 = tpu.memref_squeeze %dma_start3A_19 : memref<1x640x128xf32, #tpu.memory_space<hbm>> -> memref<640x128xf32, #tpu.memory_space<hbm>>
      %dma_start3A_21 = arith.constant 0 : i32
      %dma_start3A_22 = tpu.memref_slice %arg10[%mul3A_16, %dma_start3A_21] : memref<10240x128xf32, #tpu.memory_space<vmem_shared>> -> memref<640x128xf32, #tpu.memory_space<vmem_shared>>
      tpu.enqueue_dma source(%dma_start3A_22 : memref<640x128xf32, #tpu.memory_space<vmem_shared>>) target(%dma_start3A_20 : memref<640x128xf32, #tpu.memory_space<hbm>>) target_semaphore(%run_scoped3A : memref<!tpu.dma_semaphore, #tpu.memory_space<semaphore_mem>>)
      %dma_wait3A = arith.constant 0 : i32
      %dma_wait3A_23 = tpu.memref_slice %arg6[%arg0, %mul3A_18, %dma_wait3A] : memref<2x10240x128xf32, #tpu.memory_space<hbm>> -> memref<1x640x128xf32, #tpu.memory_space<hbm>>
      %dma_wait3A_24 = tpu.memref_squeeze %dma_wait3A_23 : memref<1x640x128xf32, #tpu.memory_space<hbm>> -> memref<640x128xf32, #tpu.memory_space<hbm>>
      %dma_wait3A_25 = arith.constant 0 : i32
      %dma_wait3A_26 = tpu.memref_slice %arg10[%mul3A_16, %dma_wait3A_25] : memref<10240x128xf32, #tpu.memory_space<vmem_shared>> -> memref<640x128xf32, #tpu.memory_space<vmem_shared>>
      tpu.wait_dma2 semaphore(%run_scoped3A : memref<!tpu.dma_semaphore, #tpu.memory_space<semaphore_mem>>) src(%dma_wait3A_26 : memref<640x128xf32, #tpu.memory_space<vmem_shared>>) dst(%dma_wait3A_24 : memref<640x128xf32, #tpu.memory_space<hbm>>)
      tpu.yield
    }) : () -> ()
    return
  }
}

module attributes {stable_mosaic.version = 14 : i64} {
  func.func @_prep_body(%arg0: memref<10000x128xf32, #tpu.memory_space<vmem>>, %arg1: memref<128x128xf32, #tpu.memory_space<vmem>>, %arg2: memref<10000x1xf32, #tpu.memory_space<vmem>>, %arg3: memref<10000x1xf32, #tpu.memory_space<vmem>>, %arg4: memref<1x128xf32, #tpu.memory_space<vmem>>, %arg5: memref<128x128xf32, #tpu.memory_space<vmem>>, %arg6: memref<1x128xf32, #tpu.memory_space<vmem>>, %arg7: memref<128x128xf32, #tpu.memory_space<vmem>>, %arg8: memref<1x128xf32, #tpu.memory_space<vmem>>, %arg9: memref<1x128xf32, #tpu.memory_space<vmem>>, %arg10: memref<1x128xf32, #tpu.memory_space<vmem>>, %arg11: memref<10000x128xf32, #tpu.memory_space<vmem>>, %arg12: memref<10000x1xf32, #tpu.memory_space<vmem>>, %arg13: memref<1x128xf32, #tpu.memory_space<vmem>>) attributes {dimension_semantics = [], scalar_prefetch = 0 : i64, scratch_operands = 0 : i64, tpu.core_type = #tpu.core_type<tc>} {
    %get3A = arith.constant 0 : index
    %get3A_0 = arith.constant 0 : index
    %get3A_1 = vector.load %arg2[%get3A, %get3A_0] : memref<10000x1xf32, #tpu.memory_space<vmem>>, vector<10000x1xf32>
    %get3A_2 = arith.constant 0 : index
    %get3A_3 = arith.constant 0 : index
    %get3A_4 = vector.load %arg3[%get3A_2, %get3A_3] : memref<10000x1xf32, #tpu.memory_space<vmem>>, vector<10000x1xf32>
    %add3A = arith.addf %get3A_1, %get3A_4 : vector<10000x1xf32>
    %add3A_5 = arith.constant 1.000000e+00 : f32
    %add3A_6 = vector.broadcast %add3A_5 : f32 to vector<10000x1xf32>
    %add3A_7 = arith.addf %add3A, %add3A_6 : vector<10000x1xf32>
    %rsqrt3A = math.rsqrt %add3A_7 : vector<10000x1xf32>
    %get3A_8 = arith.constant 0 : index
    %get3A_9 = arith.constant 0 : index
    %get3A_10 = vector.load %arg0[%get3A_8, %get3A_9] : memref<10000x128xf32, #tpu.memory_space<vmem>>, vector<10000x128xf32>
    %get3A_11 = arith.constant 0 : index
    %get3A_12 = arith.constant 0 : index
    %get3A_13 = vector.load %arg1[%get3A_11, %get3A_12] : memref<128x128xf32, #tpu.memory_space<vmem>>, vector<128x128xf32>
    %dot_general3A = arith.constant dense<0.000000e+00> : vector<10000x128xf32>
    %dot_general3A_14 = tpu.matmul %get3A_10, %get3A_13, %dot_general3A {dimension_numbers = #tpu.dot_dimension_numbers<[1], [0], [0], [1], [0, 0, 1, 1], [], []>, transpose_lhs_hint = false} : vector<10000x128xf32>, vector<128x128xf32>, vector<10000x128xf32> -> vector<10000x128xf32>
    %mul3A = vector.broadcast %rsqrt3A : vector<10000x1xf32> to vector<10000x128xf32>
    %mul3A_15 = arith.mulf %dot_general3A_14, %mul3A : vector<10000x128xf32>
    %swap3A = arith.constant 0 : index
    %swap3A_16 = arith.constant 0 : index
    %swap3A_17 = vector.load %arg11[%swap3A, %swap3A_16] : memref<10000x128xf32, #tpu.memory_space<vmem>>, vector<10000x128xf32>
    tpu.vector_store %arg11[%swap3A, %swap3A_16], %mul3A_15 {strides = array<i32>} : memref<10000x128xf32, #tpu.memory_space<vmem>>, vector<10000x128xf32>,
    %swap3A_18 = arith.constant 0 : index
    %swap3A_19 = arith.constant 0 : index
    %swap3A_20 = vector.load %arg12[%swap3A_18, %swap3A_19] : memref<10000x1xf32, #tpu.memory_space<vmem>>, vector<10000x1xf32>
    tpu.vector_store %arg12[%swap3A_18, %swap3A_19], %rsqrt3A {strides = array<i32>} : memref<10000x1xf32, #tpu.memory_space<vmem>>, vector<10000x1xf32>,
    %get3A_21 = arith.constant 0 : index
    %get3A_22 = arith.constant 0 : index
    %get3A_23 = vector.load %arg8[%get3A_21, %get3A_22] : memref<1x128xf32, #tpu.memory_space<vmem>>, vector<1x128xf32>
    %get3A_24 = arith.constant 0 : index
    %get3A_25 = arith.constant 0 : index
    %get3A_26 = vector.load %arg9[%get3A_24, %get3A_25] : memref<1x128xf32, #tpu.memory_space<vmem>>, vector<1x128xf32>
    %add3A_27 = arith.addf %get3A_23, %get3A_26 : vector<1x128xf32>
    %get3A_28 = arith.constant 0 : index
    %get3A_29 = arith.constant 0 : index
    %get3A_30 = vector.load %arg10[%get3A_28, %get3A_29] : memref<1x128xf32, #tpu.memory_space<vmem>>, vector<1x128xf32>
    %add3A_31 = arith.addf %add3A_27, %get3A_30 : vector<1x128xf32>
    %get3A_32 = arith.constant 0 : index
    %get3A_33 = arith.constant 0 : index
    %get3A_34 = vector.load %arg4[%get3A_32, %get3A_33] : memref<1x128xf32, #tpu.memory_space<vmem>>, vector<1x128xf32>
    %get3A_35 = arith.constant 0 : index
    %get3A_36 = arith.constant 0 : index
    %get3A_37 = vector.load %arg5[%get3A_35, %get3A_36] : memref<128x128xf32, #tpu.memory_space<vmem>>, vector<128x128xf32>
    %dot_general3A_38 = arith.constant dense<0.000000e+00> : vector<1x128xf32>
    %dot_general3A_39 = tpu.matmul %get3A_34, %get3A_37, %dot_general3A_38 {dimension_numbers = #tpu.dot_dimension_numbers<[1], [0], [0], [1], [0, 0, 1, 1], [], []>, transpose_lhs_hint = false} : vector<1x128xf32>, vector<128x128xf32>, vector<1x128xf32> -> vector<1x128xf32>
    %add3A_40 = arith.addf %add3A_31, %dot_general3A_39 : vector<1x128xf32>
    %get3A_41 = arith.constant 0 : index
    %get3A_42 = arith.constant 0 : index
    %get3A_43 = vector.load %arg6[%get3A_41, %get3A_42] : memref<1x128xf32, #tpu.memory_space<vmem>>, vector<1x128xf32>
    %get3A_44 = arith.constant 0 : index
    %get3A_45 = arith.constant 0 : index
    %get3A_46 = vector.load %arg7[%get3A_44, %get3A_45] : memref<128x128xf32, #tpu.memory_space<vmem>>, vector<128x128xf32>
    %dot_general3A_47 = arith.constant dense<0.000000e+00> : vector<1x128xf32>
    %dot_general3A_48 = tpu.matmul %get3A_43, %get3A_46, %dot_general3A_47 {dimension_numbers = #tpu.dot_dimension_numbers<[1], [0], [0], [1], [0, 0, 1, 1], [], []>, transpose_lhs_hint = false} : vector<1x128xf32>, vector<128x128xf32>, vector<1x128xf32> -> vector<1x128xf32>
    %add3A_49 = arith.addf %add3A_40, %dot_general3A_48 : vector<1x128xf32>
    %swap3A_50 = arith.constant 0 : index
    %swap3A_51 = arith.constant 0 : index
    %swap3A_52 = vector.load %arg13[%swap3A_50, %swap3A_51] : memref<1x128xf32, #tpu.memory_space<vmem>>, vector<1x128xf32>
    tpu.vector_store %arg13[%swap3A_50, %swap3A_51], %add3A_49 {strides = array<i32>} : memref<1x128xf32, #tpu.memory_space<vmem>>, vector<1x128xf32>,
    return
  }
}

module attributes {stable_mosaic.version = 14 : i64} {
  func.func @_final_body(%arg0: i32, %arg1: memref<1x2000x128xf32, #tpu.memory_space<vmem>>, %arg2: memref<1x2000x128xf32, #tpu.memory_space<vmem>>, %arg3: memref<2000x128xf32, #tpu.memory_space<vmem>>, %arg4: memref<2000x1xf32, #tpu.memory_space<vmem>>, %arg5: memref<1x128xf32, #tpu.memory_space<vmem>>, %arg6: memref<2000x128xf32, #tpu.memory_space<vmem>>) attributes {dimension_semantics = [#tpu.dimension_semantics<arbitrary>], iteration_bounds = array<i64: 5>, scalar_prefetch = 0 : i64, scratch_operands = 0 : i64, tpu.core_type = #tpu.core_type<tc>, window_params = [{transform_indices = @transform_0, window_bounds = array<i64: 1, 2000, 128>}, {transform_indices = @transform_1, window_bounds = array<i64: 1, 2000, 128>}, {transform_indices = @transform_2, window_bounds = array<i64: 2000, 128>}, {transform_indices = @transform_3, window_bounds = array<i64: 2000, 1>}, {pipeline_mode = #tpu.pipeline_mode<synchronous>, transform_indices = @transform_4, window_bounds = array<i64: 1, 128>}, {transform_indices = @transform_5, window_bounds = array<i64: 2000, 128>}]} {
    %get3A = arith.constant 0 : index
    %get3A_0 = arith.constant 0 : index
    %get3A_1 = arith.constant 0 : index
    %get3A_2 = vector.load %arg1[%get3A, %get3A_0, %get3A_1] : memref<1x2000x128xf32, #tpu.memory_space<vmem>>, vector<1x2000x128xf32>
    %get3A_3 = vector.shape_cast %get3A_2 : vector<1x2000x128xf32> to vector<2000x128xf32>
    %get3A_4 = arith.constant 0 : index
    %get3A_5 = arith.constant 0 : index
    %get3A_6 = arith.constant 0 : index
    %get3A_7 = vector.load %arg2[%get3A_4, %get3A_5, %get3A_6] : memref<1x2000x128xf32, #tpu.memory_space<vmem>>, vector<1x2000x128xf32>
    %get3A_8 = vector.shape_cast %get3A_7 : vector<1x2000x128xf32> to vector<2000x128xf32>
    %add3A = arith.addf %get3A_3, %get3A_8 : vector<2000x128xf32>
    %get3A_9 = arith.constant 0 : index
    %get3A_10 = arith.constant 0 : index
    %get3A_11 = vector.load %arg3[%get3A_9, %get3A_10] : memref<2000x128xf32, #tpu.memory_space<vmem>>, vector<2000x128xf32>
    %add3A_12 = arith.addf %add3A, %get3A_11 : vector<2000x128xf32>
    %get3A_13 = arith.constant 0 : index
    %get3A_14 = arith.constant 0 : index
    %get3A_15 = vector.load %arg4[%get3A_13, %get3A_14] : memref<2000x1xf32, #tpu.memory_space<vmem>>, vector<2000x1xf32>
    %mul3A = vector.broadcast %get3A_15 : vector<2000x1xf32> to vector<2000x128xf32>
    %mul3A_16 = arith.mulf %add3A_12, %mul3A : vector<2000x128xf32>
    %get3A_17 = arith.constant 0 : index
    %get3A_18 = arith.constant 0 : index
    %get3A_19 = vector.load %arg5[%get3A_17, %get3A_18] : memref<1x128xf32, #tpu.memory_space<vmem>>, vector<1x128xf32>
    %add3A_20 = vector.broadcast %get3A_19 : vector<1x128xf32> to vector<2000x128xf32>
    %add3A_21 = arith.addf %mul3A_16, %add3A_20 : vector<2000x128xf32>
    %swap3A = arith.constant 0 : index
    %swap3A_22 = arith.constant 0 : index
    %swap3A_23 = vector.load %arg6[%swap3A, %swap3A_22] : memref<2000x128xf32, #tpu.memory_space<vmem>>, vector<2000x128xf32>
    tpu.vector_store %arg6[%swap3A, %swap3A_22], %add3A_21 {strides = array<i32>} : memref<2000x128xf32, #tpu.memory_space<vmem>>, vector<2000x128xf32>,
    return
  }
  func.func @transform_0(%arg0: i32) -> (i32, i32, i32) {
    %c0_i32 = arith.constant 0 : i32
    %c0_i32_0 = arith.constant 0 : i32
    %c0_i32_1 = arith.constant 0 : i32
    return %c0_i32, %arg0, %c0_i32_0 : i32, i32, i32
  }
  func.func @transform_1(%arg0: i32) -> (i32, i32, i32) {
    %c1_i32 = arith.constant 1 : i32
    %c0_i32 = arith.constant 0 : i32
    %c0_i32_0 = arith.constant 0 : i32
    return %c1_i32, %arg0, %c0_i32 : i32, i32, i32
  }
  func.func @transform_2(%arg0: i32) -> (i32, i32) {
    %c0_i32 = arith.constant 0 : i32
    %c0_i32_0 = arith.constant 0 : i32
    return %arg0, %c0_i32 : i32, i32
  }
  func.func @transform_3(%arg0: i32) -> (i32, i32) {
    %c0_i32 = arith.constant 0 : i32
    %c0_i32_0 = arith.constant 0 : i32
    return %arg0, %c0_i32 : i32, i32
  }
  func.func @transform_4(%arg0: i32) -> (i32, i32) {
    %c0_i32 = arith.constant 0 : i32
    %c0_i32_0 = arith.constant 0 : i32
    %c0_i32_1 = arith.constant 0 : i32
    return %c0_i32, %c0_i32_0 : i32, i32
  }
  func.func @transform_5(%arg0: i32) -> (i32, i32) {
    %c0_i32 = arith.constant 0 : i32
    %c0_i32_0 = arith.constant 0 : i32
    return %arg0, %c0_i32 : i32, i32
  }
}

</mosaic_0001>

<sc_bundles>
// kernel: kernel.6.cloned.1.call-start
scs
__scs_entry_jumppad:
0x0: {  	(pc) =	sbr.rel $0x88, $3  }
0x1: {  	(tag) =	ssettag $0x0;
	lr =	simm.s32 $0x1  }
0x2: {  	[smem:$0x3F97] =	sst lr;
	_ =	strace $0xD0000000  }
0x3: {  	_ = 	snop  }
0x4: {  	_ = 	snop  }
0x5: {  	_ = 	snop  }
0x6: {  	_ = 	snop  }
0x7: {  	_ = 	snop  }
__scs_overlays_trampoline_lowered:
0x8: {  	[smem:$0x3FA6] =	sst s0  }
0x9: {  	[smem:$0x3FA7] =	sst s1  }
0xa: {  	[smem:$0x3FA8] =	sst s2  }
0xb: {  	[smem:$0x3FA9] =	sst s3  }
0xc: {  	[smem:$0x3FAA] =	sst s4  }
0xd: {  	[smem:$0x3FAB] =	sst s5  }
0xe: {  	[smem:$0x3FAC] =	sst s6  }
0xf: {  	[smem:$0x3FAD] =	sst s7  }
0x10: {  	[smem:$0x3FAE] =	sst s8  }
0x11: {  	[smem:$0x3FAF] =	sst s9;
	s0 =	simm.s32 @!p0 $0x0  }
0x12: {  	s1 =	sld [smem:$0x3F95];
	s0 =	simm.s32 @p0 $0x1  }
0x13: {  	[smem:$0x3FB0] =	sst s0;
	s0 =	simm.s32 @!p1 $0x0  }
0x14: {  	s2 =	sld [smem:$0x3F94];
	s0 =	simm.s32 @p1 $0x1  }
0x15: {  	[smem:$0x3FB1] =	sst s0;
	s0 =	simm.s32 @!p2 $0x0  }
0x16: {  	s3 =	sld [smem:$0x3FDB];
	s0 =	simm.s32 @p2 $0x1  }
0x17: {  	s4 =	simm.s32 $0x1BF5;
	[smem:$0x3FB3] =	sst s0  }
0x18: {  	s0 =	sld [smem:$0x3F96];
	_ =	swait.ge [sflag:s4], $0x0  }
0x19: {  	s7 =	sld [smem:$0x3F97]  }
0x1a: {  	s8 =	sadd.s32 $0xFFFFE003, lr  }
0x1b: {  	s9 =	sadd.s32 $0xFFFFFEF7, lr;
	s5 =	simm.s32 $0xFFFFFFFF;
	p2 =	slt.u32 s8, $0xFFFFF086  }
0x1c: {  	p1 =	slt.u32 s9, $0xF7A;
	s5 =	simm.s32 @!p2 $0x0  }
0x1d: {  	s5 =	simm.s32 @p1 $0x1;
	p0 =	seq.s32 s7, s2  }
0x1e: {  	s7 =	smul.u32 @!p0 $0xF7A, s2;
	p2 =	seq.s32 @!p0 s5, $0x0  }
0x1f: {  	s9 =	smul.u32 $0xF7A, s1;
	s8 =	simm.s32 @!p0 $0x1BF5;
	p2 =	por !p2, p0  }
0x20: {  	[sflag:s8] =	ssyncset.s32 @!p0 $0xFFFFF086;
	s6 =	sadd.s32 @!p0 s3, s7;
	s7 =	simm.s32 @!p0 $0x108  }
0x21: {  	s3 =	sadd.s32 s3, s9;
	s6 =	sadd.s32 @!p0 $0x88, s6;
	s7 =	simm.s32 @p2 $0x1082  }
0x22: {  	[simem:s7], [sflag:s8] =	dma.local @!p0 [hbm:s6], $0xF7A  }
0x23: {  	s9 =	sor.u32 $0xD0000000, s2;
	s6 =	simm.s32 $0x108;
	_ =	swait.ge @!p0 [sflag:s8], $0x0  }
0x24: {  	s3 =	sadd.s32 $0x88, s3;
	s6 =	simm.s32 @!p1 $0x1082;
	[sflag:s4] =	ssyncset.s32 $0xFFFFF086  }
0x25: {  	[simem:s6], [sflag:s4] =	dma.local [hbm:s3], $0xF7A  }
0x26: {  	[smem:$0x3F97] =	sst s1;
	(tag) =	ssettag s2;
	_ =	strace s9  }
0x27: {  	s1 =	sld [smem:$0x3FA7]  }
0x28: {  	s2 =	sld [smem:$0x3FA8]  }
0x29: {  	s4 =	sld [smem:$0x3FAA]  }
0x2a: {  	p0 =	seq.s32 s5, $0x0;
	s5 =	sld [smem:$0x3FAB]  }
0x2b: {  	s6 =	sld [smem:$0x3FAC]  }
0x2c: {  	s7 =	sld [smem:$0x3FAD]  }
0x2d: {  	s3 =	simm.s32 $0x108;
	s8 =	sld [smem:$0x3FAE]  }
0x2e: {  	s3 =	simm.s32 @!p0 $0x1082;
	s9 =	sld [smem:$0x3FAF]  }
0x2f: {  	lr =	sadd.s32 s0, s3;
	s0 =	sld [smem:$0x3FA6]  }
0x30: {  	s3 =	sld [smem:$0x3FA9]  }
0x31: {  	[smem:$0x3FB2] =	sst s10  }
0x32: {  	s10 =	sld [smem:$0x3FB0];
	_ =	sdelay $0x3  }
0x33: {  	p0 =	seq.s32 s10, $0x1;
	s10 =	sld [smem:$0x3FB2];
	_ =	sdelay $0x3  }
0x34: {  	[smem:$0x3FB2] =	sst s10  }
0x35: {  	s10 =	sld [smem:$0x3FB1];
	_ =	sdelay $0x3  }
0x36: {  	p1 =	seq.s32 s10, $0x1;
	s10 =	sld [smem:$0x3FB2];
	_ =	sdelay $0x3  }
0x37: {  	[smem:$0x3FB2] =	sst s10  }
0x38: {  	s10 =	sld [smem:$0x3FB3]  }
0x39: {  	_ = 	snop;
	(pc) =	sbr.ind lr, $3  }
0x3a: {  	_ = 	snop  }
0x3b: {  	_ = 	snop  }
0x3c: {  	p2 =	seq.s32 s10, $0x1;
	s10 =	sld [smem:$0x3FB2]  }
0x3d: {  	_ =	shalt  }
0x3e: {  	_ =	shalt  }
0x3f: {  	_ =	shalt  }
0x40: {  	_ =	shalt  }
0x41: {  	_ =	shalt  }
0x42: {  	_ =	shalt  }
0x43: {  	_ =	shalt  }
0x44: {  	_ =	shalt  }
0x45: {  	_ =	shalt  }
0x46: {  	_ =	shalt  }
0x47: {  	_ =	shalt  }
0x48: {  	_ =	shalt  }
0x49: {  	_ =	shalt  }
0x4a: {  	_ =	shalt  }
0x4b: {  	_ =	shalt  }
0x4c: {  	_ =	shalt  }
0x4d: {  	_ =	shalt  }
0x4e: {  	_ =	shalt  }
0x4f: {  	_ =	shalt  }
0x50: {  	_ =	shalt  }
0x51: {  	_ =	shalt  }
0x52: {  	_ =	shalt  }
0x53: {  	_ =	shalt  }
0x54: {  	_ =	shalt  }
0x55: {  	_ =	shalt  }
0x56: {  	_ =	shalt  }
0x57: {  	_ =	shalt  }
0x58: {  	_ =	shalt  }
0x59: {  	_ =	shalt  }
0x5a: {  	_ =	shalt  }
0x5b: {  	_ =	shalt  }
0x5c: {  	_ =	shalt  }
0x5d: {  	_ =	shalt  }
0x5e: {  	_ =	shalt  }
0x5f: {  	_ =	shalt  }
0x60: {  	_ =	shalt  }
0x61: {  	_ =	shalt  }
0x62: {  	_ =	shalt  }
0x63: {  	_ =	shalt  }
0x64: {  	_ =	shalt  }
0x65: {  	_ =	shalt  }
0x66: {  	_ =	shalt  }
0x67: {  	_ =	shalt  }
0x68: {  	_ =	shalt  }
0x69: {  	_ =	shalt  }
0x6a: {  	_ =	shalt  }
0x6b: {  	_ =	shalt  }
0x6c: {  	_ =	shalt  }
0x6d: {  	_ =	shalt  }
0x6e: {  	_ =	shalt  }
0x6f: {  	_ =	shalt  }
0x70: {  	_ =	shalt  }
0x71: {  	_ =	shalt  }
0x72: {  	_ =	shalt  }
0x73: {  	_ =	shalt  }
0x74: {  	_ =	shalt  }
0x75: {  	_ =	shalt  }
0x76: {  	_ =	shalt  }
0x77: {  	_ =	shalt  }
0x78: {  	_ =	shalt  }
0x79: {  	_ =	shalt  }
0x7a: {  	_ =	shalt  }
0x7b: {  	_ =	shalt  }
0x7c: {  	_ =	shalt  }
0x7d: {  	_ =	shalt  }
0x7e: {  	_ =	shalt  }
0x7f: {  	_ =	shalt  }
0x80: {  	_ =	shalt  }
0x81: {  	_ =	shalt  }
0x82: {  	_ =	shalt  }
0x83: {  	_ =	shalt  }
0x84: {  	_ =	shalt  }
0x85: {  	_ =	shalt  }
0x86: {  	_ =	shalt  }
0x87: {  	_ =	shalt  }
.Lfunc_end0:
.L_simem_size_0:
called_computation_lowered:
.L_overlay_start_0:
0x88: {  	s2 =	sld [smem:$0x3FD9]  }
0x89: {  	s3 =	sld [smem:$0x3FFE];
	_ =	sdelay $0x1  }
0x8a: {  	s1 =	srdreg.scid  }
0x8b: {  	s0 =	sand.u32 $0x1, s1  }
0x8c: {  	s17 =	sshll.u32 s0, $0xA;
	s2 =	sadd.s32 s3, s2  }
0x8d: {  	s2 =	sadd.s32 s2, s17  }
0x8e: {  	[smem:$0x3FBE] =	sst s2  }
0x8f: {  	_ = 	snop  }
0x90: {  	s2 =	sld [smem:$0x3FD0];
	(tm) =	ssettm $0x1  }
0x91: {  	s18 =	sld [smem:$0x3FFB];
	_ =	sdelay $0x3  }
0x92: {  	_ =	strace s18  }
0x93: {  	s3 =	sld [smem:$0x3FFC];
	_ =	sdelay $0x3  }
0x94: {  	_ =	strace s3  }
0x95: {  	s3 =	sld [smem:$0x3FFD];
	_ =	sdelay $0x3  }
0x96: {  	_ =	strace s3  }
0x97: {  	_ =	strace $0x8FFFFFFF  }
0x98: {  	s19 =	sld [smem:$0x3FDB];
	_ =	sdelay $0x1  }
0x99: {  	s4 =	simm.s32 $_scs_section_size  }
0x9a: {  	s5 =	simm.s32 $_size__tile_overlayer_lowered;
	s6 =	simm.s32 $_tile_overlayer_lowered  }
0x9b: {  	s22 =	simm.s32 $0x1BFF;
	s21 =	sshll.u32 s6, $0x1;
	s3 =	sadd.s32 s4, s19  }
0x9c: {  	s7 =	simm.s32 $0x0;
	s20 =	sshll.u32 s5, $0x1;
	s5 =	sadd.s32 s21, s3  }
0x9d: {  	[timem:s7], [sflag:s22] =	dma.local [hbm:s5], s20  }
0x9e: {  	_ =	swait.ge [sflag:s22], s20  }
0x9f: {  	s4 =	ssub.s32 $0x0, s20;
	[sflag:s22] =	ssyncset.done $0x0  }
0xa0: {  	[sflag:s22] =	ssyncadd.s32 s4;
	_ =	sdelay $0x1  }
0xa1: {  	s23 =	simm.s32 $0x1B8B  }
0xa2: {  	_ =	swait.ge [sflag:s23], $0x1  }
0xa3: {  	[sflag:s23] =	ssyncset.done $0x0  }
0xa4: {  	s25 =	simm.s32 $0x1B8E;
	s24 =	sld [smem:$0x3FFE];
	[sflag:s23] =	ssyncadd.s32 $0xFFFFFFFF  }
0xa5: {  	s26 =	simm.s32 $execute0_lowered;
	[smem:$0x3FD2] =	sst s25  }
0xa6: {  	s5 =	sshll.u32 s26, $0x1;
	_ =	strace $0x80000046;
	[dreg:$0x1] =	wrdreg $0xFFFFFFFF  }
0xa7: {  	s28 =	simm.s32 $_size_execute0_lowered;
	s3 =	sadd.s32 s3, s5;
	[dreg:$0x0] =	wrdreg $0x0  }
0xa8: {  	s5 =	sshll.u32 s28, $0x1;
	[dreg:$0x2] =	wrdreg s3  }
0xa9: {  	[dreg:$0x3] =	wrdreg s5  }
0xaa: {  	[dreg:$0x4] =	wrdreg $0xC0  }
0xab: {  	_ =	task [dreg:s7], $0x5FFFF  }
0xac: {  	[dreg:$0x1] =	wrdreg $0xFFFFFFFF  }
0xad: {  	[dreg:$0x0] =	wrdreg $0x60  }
0xae: {  	[dreg:$0x2] =	wrdreg s2  }
0xaf: {  	[dreg:$0x3] =	wrdreg s24  }
0xb0: {  	[dreg:$0x4] =	wrdreg $0x68000  }
0xb1: {  	[dreg:$0x5] =	wrdreg $0x9  }
0xb2: {  	_ =	task.clear_ibuf [dreg:s7], $0x6FFFF;
	_ =	strace $0x90000046  }
0xb3: {  	s29 =	simm.s32 $0x9;
	_ =	strace $0x80000048  }
0xb4: {  	_ =	swait.ge [sflag:s29], $0x1  }
0xb5: {  	[sflag:s29] =	ssyncadd.s32 $0xFFFFFFFF  }
0xb6: {  	_ =	strace $0x90000048  }
0xb7: {  	_ =	sfence  }
0xb8: {  	s30 =	sld [smem:$0x0];
	_ =	sdelay $0x2  }
0xb9: {  	s31 =	sshll.u32 s1, $0xD;
	s1 =	sshrl.u32 s1, $0x2  }
0xba: {  	s3 =	sand.u32 $0x4000, s31;
	s1 =	sadd.s32 s1, s30  }
0xbb: {  	s0 =	sor.u32 s3, s0;
	s1 =	sshll.u32 s1, $0x11  }
0xbc: {  	s0 =	sor.u32 s1, s0  }
0xbd: {  	s0 =	sadd.s32 $0x8F2B, s0  }
0xbe: {  	[sflag:s0] =	ssyncadd.remote.s32 $0x1  }
0xbf: {  	_ =	sfence.sel $0xFFFF  }
0xc0: {  	[dreg:$0x0] =	wrdreg $0xFFFFFFFF;
	(pc) =	sbr.abs _section_cstart, $3  }
0xc1: {  	[dreg:$0x1] =	wrdreg $0xFFFFFFFF  }
0xc2: {  	_ =	task.clear_ibuf [dreg:s7], $0x2FFFF;
	_ =	strace $0x9FFFFFFF  }
0xc3: {  	(tm) =	ssettm $0x7FFFFFFF  }
tec
execute0_lowered:
.L_overlay_start_1:
0x0: {  	(tag) =	ssettag $0x1  }
0x1: {  	s7 =	rddreg [dreg:$0x0]  }
0x2: {  	s6 =	rddreg [dreg:$0x1]  }
0x3: {  	s1 =	rddreg [dreg:$0x2]  }
0x4: {  	s2 =	srdreg.scid;
	s0 =	rddreg [dreg:$0x3];
	s3 =	simm.s32 $0x0  }
0x5: {  	s12 =	simm.s32 $0x2800;
	s13 =	simm.s32 $0x80;
	s8 =	sand.u32 $0x1, s2  }
0x6: {  	s14 =	simm.s32 $0x0;
	s2 =	stileid.u32;
	s9 =	smul.u32 $0x140000, s8  }
0x7: {  	[smem:$0x7FF] =	sst s3;
	s4 =	sadd.s32 $0x2200, s6;
	s10 =	smul.u32 $0x14000, s2  }
0x8: {  	s5 =	sadd.s32 $0x2A00, s6;
	_ =	strace $0x80000047;
	s26 =	smul.u32 $0x50000, s2  }
0x9: {  	s11 =	sshll.u32 s8, $0x4;
	s28 =	ssub.s32 $0x2, s8;
	s31 =	sshll.u32 s2, $0x6  }
0xa: {  	s29 =	sor.u32 s2, s11;
	s30 =	sshrl.u32 s28, $0x1;
	s9 =	sadd.s32 s10, s9  }
0xb: {  	s10 =	sshrl.u32 s26, $0x2;
	s8 =	smul.u32 $0x500, s29;
	s9 =	sshrl.u32 s9, $0x3  }
0xc: {  	s11 =	ssub.s32 s28, s30;
	s10 =	sadd.s32 s10, s1;
	s9 =	sadd.s32 s9, s6  }
0xd: {  	s6 =	sor.u32 $0x1C01, s31;
	s7 =	sadd.s32 s7, s8;
	s10 =	sshrl.u32 s10, $0x3  }
0xe: {  	s8 =	sadd.s32 $0x5200, s9;
	s9 =	smax.u32 s11, $0x1;
	s11 =	simm.s32 $0x1  }
.LBB2_1:
0xf: {  	[spmem:s10], [sflag:s6] =	dma.local [hbm:s5], $0x2800  }
0x10: {  	_ =	swait.ge [sflag:s11], $0x2800  }
0x11: {  	[sflag:s11] =	ssyncset.done $0x0  }
0x12: {  	[sflag:s11] =	ssyncadd.s32 $0xFFFFD800  }
0x13: {  	[tilespmem:s3], [sflag:$0x1] =	stream.linear.gather [hbm4b:s7+s3], $0x2780, $0x38;
	[tilespmem:$0x1A800] =	vst v63  }
0x14: {  	_ =	swait.ge [sflag:s11], $0x2780  }
0x15: {  	[sflag:s11] =	ssyncset.done $0x0  }
0x16: {  	[sflag:s11] =	ssyncadd.s32 $0xFFFFD880  }
0x17: {  	[tilespmem:s12], [sflag:$0x1] =	stream.linear.gather [hbm4b:s4+s3], $0x4000, $0x38;
	[tilespmem:$0x1A800] =	vst v63  }
0x18: {  	_ =	swait.ge [sflag:s11], $0x4000  }
0x19: {  	[sflag:s11] =	ssyncset.done $0x0  }
0x1a: {  	[sflag:s11] =	ssyncadd.s32 $0xFFFFC000  }
0x1b: {  	s15 =	simm.s32 $0x0;
	[bflag:$0x0] =	sbarrier.arrive $0xFFFF  }
0x1c: {  	[spmem:s1] =	stream.indirect.scatter.add.f32 [tilespmem:s12], [sflag:$0x1], $0x80, s15, s13, $0xb8;
	[tilespmem:$0x1A800] =	vst v63  }
0x1d: {  	_ =	swait.ge [sflag:s11], $0x4000  }
0x1e: {  	s15 =	simm.s32 $0x200;
	[sflag:s11] =	ssyncset.done $0x0  }
.LBB2_2:
0x1f: {  	s16 =	sshra.s32 s15, $0x2;
	[sflag:s11] =	ssyncadd.s32 $0xFFFFC000;
	p0 =	sne.s32 s15, $0x9C00  }
0x20: {  	[spmem:s1] =	stream.indirect.scatter.add.f32 [tilespmem:s12], [sflag:$0x1], $0x80, s16, s13, $0xb8;
	[tilespmem:$0x1A800] =	vst v63  }
.Ltmp0:
0x21: {  	_ = 	snop;
	(pc) =	sbr.rel @p0 .LBB2_2-.Ltmp0, $4  }
0x22: {  	_ = 	snop  }
0x23: {  	s15 =	sadd.s32 $0x200, s15  }
0x24: {  	_ =	swait.ge [sflag:s11], $0x4000  }
0x25: {  	[sflag:s11] =	ssyncset.done $0x0  }
0x26: {  	s14 =	sadd.s32 $0x1, s14  }
0x27: {  	[sflag:s11] =	ssyncadd.s32 $0xFFFFC000;
	p0 =	sne.s32 s14, s9  }
.Ltmp1:
0x28: {  	[bflag:$0x0] =	sbarrier.arrive $0xFFFF;
	(pc) =	sbr.rel @p0 .LBB2_1-.Ltmp1, $4  }
0x29: {  	[hbm:s8], [sflag:s6] =	dma.local [spmem:s10], $0x2800  }
0x2a: {  	_ =	swait.ge [sflag:s11], $0x2800  }
0x2b: {  	[sflag:s11] =	ssyncset.done $0x0  }
0x2c: {  	[sflag:s11] =	ssyncadd.s32 $0xFFFFD800  }
0x2d: {  	_ =	sfence.sel $0x180000  }
0x2e: {  	[bflag:$0x0] =	sbarrier.arrive $0xFFFF  }
0x2f: {  	p0 =	sne.s32 s2, $0x0;
	_ =	strace $0x90000047  }
0x30: {  	s0 =	sadd.s32 @!p0 $0x100000, s0;
	[bflag:$0x2] =	sbarrier.arrive $0xFFFF  }
0x31: {  	[sflag:s0] =	ssyncadd.tile.s32 @!p0 $0x1;
	_ =	shalt  }
.Lfunc_end2:
_tile_overlayer_lowered:
.L_overlay_start_2:
0x32: {  	(tag) =	ssettag $0x2  }
0x33: {  	s0 =	rddreg [dreg:$0x0];
	s2 =	stileid.u32  }
0x34: {  	s1 =	rddreg [dreg:$0x1];
	p0 =	sne.s32 s2, $0x0  }
0x35: {  	s3 =	rddreg [dreg:$0x2];
	[bflag:$0x3] =	sbarrier.arrive $0xFFFF;
	s2 =	simm.s32 @!p0 $0x1C01  }
0x36: {  	[timem:s3], [sflag:s2] =	dma.local @!p0 [hbm:s0], s1  }
0x37: {  	s0 =	simm.s32 @!p0 $0x1  }
0x38: {  	_ =	swait.ge @!p0 [sflag:s0], s1  }
0x39: {  	s1 =	ssub.s32 @!p0 $0x0, s1;
	[sflag:s0] =	ssyncset.done @!p0 $0x0  }
0x3a: {  	[sflag:s0] =	ssyncadd.s32 @!p0 s1  }
0x3b: {  	[bflag:$0x3] =	sbarrier.arrive $0xFFFF  }
0x3c: {  	_ =	shalt  }

// kernel: kernel.9.cloned.1.call-start
scs
__scs_entry_jumppad:
0x0: {  	(pc) =	sbr.rel $0x88, $3  }
0x1: {  	(tag) =	ssettag $0x0;
	lr =	simm.s32 $0x1  }
0x2: {  	[smem:$0x3F97] =	sst lr;
	_ =	strace $0xD0000000  }
0x3: {  	_ = 	snop  }
0x4: {  	_ = 	snop  }
0x5: {  	_ = 	snop  }
0x6: {  	_ = 	snop  }
0x7: {  	_ = 	snop  }
__scs_overlays_trampoline_lowered:
0x8: {  	[smem:$0x3FA6] =	sst s0  }
0x9: {  	[smem:$0x3FA7] =	sst s1  }
0xa: {  	[smem:$0x3FA8] =	sst s2  }
0xb: {  	[smem:$0x3FA9] =	sst s3  }
0xc: {  	[smem:$0x3FAA] =	sst s4  }
0xd: {  	[smem:$0x3FAB] =	sst s5  }
0xe: {  	[smem:$0x3FAC] =	sst s6  }
0xf: {  	[smem:$0x3FAD] =	sst s7  }
0x10: {  	[smem:$0x3FAE] =	sst s8  }
0x11: {  	[smem:$0x3FAF] =	sst s9;
	s0 =	simm.s32 @!p0 $0x0  }
0x12: {  	s1 =	sld [smem:$0x3F95];
	s0 =	simm.s32 @p0 $0x1  }
0x13: {  	[smem:$0x3FB0] =	sst s0;
	s0 =	simm.s32 @!p1 $0x0  }
0x14: {  	s2 =	sld [smem:$0x3F94];
	s0 =	simm.s32 @p1 $0x1  }
0x15: {  	[smem:$0x3FB1] =	sst s0;
	s0 =	simm.s32 @!p2 $0x0  }
0x16: {  	s3 =	sld [smem:$0x3FDB];
	s0 =	simm.s32 @p2 $0x1  }
0x17: {  	s4 =	simm.s32 $0x1BF5;
	[smem:$0x3FB3] =	sst s0  }
0x18: {  	s0 =	sld [smem:$0x3F96];
	_ =	swait.ge [sflag:s4], $0x0  }
0x19: {  	s7 =	sld [smem:$0x3F97]  }
0x1a: {  	s8 =	sadd.s32 $0xFFFFE003, lr  }
0x1b: {  	s9 =	sadd.s32 $0xFFFFFEF7, lr;
	s5 =	simm.s32 $0xFFFFFFFF;
	p2 =	slt.u32 s8, $0xFFFFF086  }
0x1c: {  	p1 =	slt.u32 s9, $0xF7A;
	s5 =	simm.s32 @!p2 $0x0  }
0x1d: {  	s5 =	simm.s32 @p1 $0x1;
	p0 =	seq.s32 s7, s2  }
0x1e: {  	s7 =	smul.u32 @!p0 $0xF7A, s2;
	p2 =	seq.s32 @!p0 s5, $0x0  }
0x1f: {  	s9 =	smul.u32 $0xF7A, s1;
	s8 =	simm.s32 @!p0 $0x1BF5;
	p2 =	por !p2, p0  }
0x20: {  	[sflag:s8] =	ssyncset.s32 @!p0 $0xFFFFF086;
	s6 =	sadd.s32 @!p0 s3, s7;
	s7 =	simm.s32 @!p0 $0x108  }
0x21: {  	s3 =	sadd.s32 s3, s9;
	s6 =	sadd.s32 @!p0 $0x88, s6;
	s7 =	simm.s32 @p2 $0x1082  }
0x22: {  	[simem:s7], [sflag:s8] =	dma.local @!p0 [hbm:s6], $0xF7A  }
0x23: {  	s9 =	sor.u32 $0xD0000000, s2;
	s6 =	simm.s32 $0x108;
	_ =	swait.ge @!p0 [sflag:s8], $0x0  }
0x24: {  	s3 =	sadd.s32 $0x88, s3;
	s6 =	simm.s32 @!p1 $0x1082;
	[sflag:s4] =	ssyncset.s32 $0xFFFFF086  }
0x25: {  	[simem:s6], [sflag:s4] =	dma.local [hbm:s3], $0xF7A  }
0x26: {  	[smem:$0x3F97] =	sst s1;
	(tag) =	ssettag s2;
	_ =	strace s9  }
0x27: {  	s1 =	sld [smem:$0x3FA7]  }
0x28: {  	s2 =	sld [smem:$0x3FA8]  }
0x29: {  	s4 =	sld [smem:$0x3FAA]  }
0x2a: {  	p0 =	seq.s32 s5, $0x0;
	s5 =	sld [smem:$0x3FAB]  }
0x2b: {  	s6 =	sld [smem:$0x3FAC]  }
0x2c: {  	s7 =	sld [smem:$0x3FAD]  }
0x2d: {  	s3 =	simm.s32 $0x108;
	s8 =	sld [smem:$0x3FAE]  }
0x2e: {  	s3 =	simm.s32 @!p0 $0x1082;
	s9 =	sld [smem:$0x3FAF]  }
0x2f: {  	lr =	sadd.s32 s0, s3;
	s0 =	sld [smem:$0x3FA6]  }
0x30: {  	s3 =	sld [smem:$0x3FA9]  }
0x31: {  	[smem:$0x3FB2] =	sst s10  }
0x32: {  	s10 =	sld [smem:$0x3FB0];
	_ =	sdelay $0x3  }
0x33: {  	p0 =	seq.s32 s10, $0x1;
	s10 =	sld [smem:$0x3FB2];
	_ =	sdelay $0x3  }
0x34: {  	[smem:$0x3FB2] =	sst s10  }
0x35: {  	s10 =	sld [smem:$0x3FB1];
	_ =	sdelay $0x3  }
0x36: {  	p1 =	seq.s32 s10, $0x1;
	s10 =	sld [smem:$0x3FB2];
	_ =	sdelay $0x3  }
0x37: {  	[smem:$0x3FB2] =	sst s10  }
0x38: {  	s10 =	sld [smem:$0x3FB3]  }
0x39: {  	_ = 	snop;
	(pc) =	sbr.ind lr, $3  }
0x3a: {  	_ = 	snop  }
0x3b: {  	_ = 	snop  }
0x3c: {  	p2 =	seq.s32 s10, $0x1;
	s10 =	sld [smem:$0x3FB2]  }
0x3d: {  	_ =	shalt  }
0x3e: {  	_ =	shalt  }
0x3f: {  	_ =	shalt  }
0x40: {  	_ =	shalt  }
0x41: {  	_ =	shalt  }
0x42: {  	_ =	shalt  }
0x43: {  	_ =	shalt  }
0x44: {  	_ =	shalt  }
0x45: {  	_ =	shalt  }
0x46: {  	_ =	shalt  }
0x47: {  	_ =	shalt  }
0x48: {  	_ =	shalt  }
0x49: {  	_ =	shalt  }
0x4a: {  	_ =	shalt  }
0x4b: {  	_ =	shalt  }
0x4c: {  	_ =	shalt  }
0x4d: {  	_ =	shalt  }
0x4e: {  	_ =	shalt  }
0x4f: {  	_ =	shalt  }
0x50: {  	_ =	shalt  }
0x51: {  	_ =	shalt  }
0x52: {  	_ =	shalt  }
0x53: {  	_ =	shalt  }
0x54: {  	_ =	shalt  }
0x55: {  	_ =	shalt  }
0x56: {  	_ =	shalt  }
0x57: {  	_ =	shalt  }
0x58: {  	_ =	shalt  }
0x59: {  	_ =	shalt  }
0x5a: {  	_ =	shalt  }
0x5b: {  	_ =	shalt  }
0x5c: {  	_ =	shalt  }
0x5d: {  	_ =	shalt  }
0x5e: {  	_ =	shalt  }
0x5f: {  	_ =	shalt  }
0x60: {  	_ =	shalt  }
0x61: {  	_ =	shalt  }
0x62: {  	_ =	shalt  }
0x63: {  	_ =	shalt  }
0x64: {  	_ =	shalt  }
0x65: {  	_ =	shalt  }
0x66: {  	_ =	shalt  }
0x67: {  	_ =	shalt  }
0x68: {  	_ =	shalt  }
0x69: {  	_ =	shalt  }
0x6a: {  	_ =	shalt  }
0x6b: {  	_ =	shalt  }
0x6c: {  	_ =	shalt  }
0x6d: {  	_ =	shalt  }
0x6e: {  	_ =	shalt  }
0x6f: {  	_ =	shalt  }
0x70: {  	_ =	shalt  }
0x71: {  	_ =	shalt  }
0x72: {  	_ =	shalt  }
0x73: {  	_ =	shalt  }
0x74: {  	_ =	shalt  }
0x75: {  	_ =	shalt  }
0x76: {  	_ =	shalt  }
0x77: {  	_ =	shalt  }
0x78: {  	_ =	shalt  }
0x79: {  	_ =	shalt  }
0x7a: {  	_ =	shalt  }
0x7b: {  	_ =	shalt  }
0x7c: {  	_ =	shalt  }
0x7d: {  	_ =	shalt  }
0x7e: {  	_ =	shalt  }
0x7f: {  	_ =	shalt  }
0x80: {  	_ =	shalt  }
0x81: {  	_ =	shalt  }
0x82: {  	_ =	shalt  }
0x83: {  	_ =	shalt  }
0x84: {  	_ =	shalt  }
0x85: {  	_ =	shalt  }
0x86: {  	_ =	shalt  }
0x87: {  	_ =	shalt  }
.Lfunc_end0:
.L_simem_size_0:
called_computation.1_lowered:
.L_overlay_start_0:
0x88: {  	s2 =	sld [smem:$0x3FD9]  }
0x89: {  	s3 =	sld [smem:$0x3FFE];
	_ =	sdelay $0x1  }
0x8a: {  	s1 =	srdreg.scid  }
0x8b: {  	s0 =	sand.u32 $0x1, s1  }
0x8c: {  	s17 =	sshll.u32 s0, $0xA;
	s2 =	sadd.s32 s3, s2  }
0x8d: {  	s2 =	sadd.s32 s2, s17  }
0x8e: {  	[smem:$0x3FBE] =	sst s2  }
0x8f: {  	_ = 	snop  }
0x90: {  	s2 =	sld [smem:$0x3FD0];
	(tm) =	ssettm $0x1  }
0x91: {  	s18 =	sld [smem:$0x3FFB];
	_ =	sdelay $0x3  }
0x92: {  	_ =	strace s18  }
0x93: {  	s3 =	sld [smem:$0x3FFC];
	_ =	sdelay $0x3  }
0x94: {  	_ =	strace s3  }
0x95: {  	s3 =	sld [smem:$0x3FFD];
	_ =	sdelay $0x3  }
0x96: {  	_ =	strace s3  }
0x97: {  	_ =	strace $0x8FFFFFFF  }
0x98: {  	s19 =	sld [smem:$0x3FDB];
	_ =	sdelay $0x1  }
0x99: {  	s4 =	simm.s32 $_scs_section_size  }
0x9a: {  	s5 =	simm.s32 $_size__tile_overlayer_lowered;
	s6 =	simm.s32 $_tile_overlayer_lowered  }
0x9b: {  	s22 =	simm.s32 $0x1BFF;
	s21 =	sshll.u32 s6, $0x1;
	s3 =	sadd.s32 s4, s19  }
0x9c: {  	s7 =	simm.s32 $0x0;
	s20 =	sshll.u32 s5, $0x1;
	s5 =	sadd.s32 s21, s3  }
0x9d: {  	[timem:s7], [sflag:s22] =	dma.local [hbm:s5], s20  }
0x9e: {  	_ =	swait.ge [sflag:s22], s20  }
0x9f: {  	s4 =	ssub.s32 $0x0, s20;
	[sflag:s22] =	ssyncset.done $0x0  }
0xa0: {  	[sflag:s22] =	ssyncadd.s32 s4;
	_ =	sdelay $0x1  }
0xa1: {  	s23 =	simm.s32 $0x1B8B  }
0xa2: {  	_ =	swait.ge [sflag:s23], $0x1  }
0xa3: {  	[sflag:s23] =	ssyncset.done $0x0  }
0xa4: {  	s25 =	simm.s32 $0x1B8E;
	s24 =	sld [smem:$0x3FFE];
	[sflag:s23] =	ssyncadd.s32 $0xFFFFFFFF  }
0xa5: {  	s26 =	simm.s32 $execute0_lowered;
	[smem:$0x3FD2] =	sst s25  }
0xa6: {  	s5 =	sshll.u32 s26, $0x1;
	_ =	strace $0x80000049;
	[dreg:$0x1] =	wrdreg $0xFFFFFFFF  }
0xa7: {  	s28 =	simm.s32 $_size_execute0_lowered;
	s3 =	sadd.s32 s3, s5;
	[dreg:$0x0] =	wrdreg $0x0  }
0xa8: {  	s5 =	sshll.u32 s28, $0x1;
	[dreg:$0x2] =	wrdreg s3  }
0xa9: {  	[dreg:$0x3] =	wrdreg s5  }
0xaa: {  	[dreg:$0x4] =	wrdreg $0xC0  }
0xab: {  	_ =	task [dreg:s7], $0x5FFFF  }
0xac: {  	[dreg:$0x1] =	wrdreg $0xFFFFFFFF  }
0xad: {  	[dreg:$0x0] =	wrdreg $0x60  }
0xae: {  	[dreg:$0x2] =	wrdreg s24  }
0xaf: {  	[dreg:$0x3] =	wrdreg s2  }
0xb0: {  	[dreg:$0x4] =	wrdreg $0xA0000  }
0xb1: {  	[dreg:$0x5] =	wrdreg $0x9  }
0xb2: {  	_ =	task.clear_ibuf [dreg:s7], $0x6FFFF;
	_ =	strace $0x90000049  }
0xb3: {  	s29 =	simm.s32 $0x9;
	_ =	strace $0x8000004B  }
0xb4: {  	_ =	swait.ge [sflag:s29], $0x1  }
0xb5: {  	[sflag:s29] =	ssyncadd.s32 $0xFFFFFFFF  }
0xb6: {  	_ =	strace $0x9000004B  }
0xb7: {  	_ =	sfence  }
0xb8: {  	s30 =	sld [smem:$0x0];
	_ =	sdelay $0x2  }
0xb9: {  	s31 =	sshll.u32 s1, $0xD;
	s1 =	sshrl.u32 s1, $0x2  }
0xba: {  	s3 =	sand.u32 $0x4000, s31;
	s1 =	sadd.s32 s1, s30  }
0xbb: {  	s0 =	sor.u32 s3, s0;
	s1 =	sshll.u32 s1, $0x11  }
0xbc: {  	s0 =	sor.u32 s1, s0  }
0xbd: {  	s0 =	sadd.s32 $0x8F2B, s0  }
0xbe: {  	[sflag:s0] =	ssyncadd.remote.s32 $0x1  }
0xbf: {  	_ =	sfence.sel $0xFFFF  }
0xc0: {  	[dreg:$0x0] =	wrdreg $0xFFFFFFFF;
	(pc) =	sbr.abs _section_cstart, $3  }
0xc1: {  	[dreg:$0x1] =	wrdreg $0xFFFFFFFF  }
0xc2: {  	_ =	task.clear_ibuf [dreg:s7], $0x2FFFF;
	_ =	strace $0x9FFFFFFF  }
0xc3: {  	(tm) =	ssettm $0x7FFFFFFF  }
tec
execute0_lowered:
.L_overlay_start_1:
0x0: {  	(tag) =	ssettag $0x1  }
0x1: {  	s7 =	rddreg [dreg:$0x0]  }
0x2: {  	s2 =	rddreg [dreg:$0x1]  }
0x3: {  	s0 =	srdreg.scid;
	s3 =	rddreg [dreg:$0x2];
	s4 =	simm.s32 $0x0  }
0x4: {  	s14 =	simm.s32 $0x80;
	s15 =	simm.s32 $0x6000;
	s6 =	sand.u32 $0x1, s0  }
0x5: {  	s16 =	simm.s32 $0x1;
	s0 =	stileid.u32;
	s8 =	smul.u32 $0x140000, s6  }
0x6: {  	s17 =	simm.s32 $0x0;
	[smem:$0x7FF] =	sst s4;
	s9 =	smul.u32 $0x14000, s0  }
0x7: {  	s1 =	sshll.u32 s6, $0x4;
	s26 =	ssub.s32 $0x2, s6;
	s29 =	smul.u32 $0x50000, s0  }
0x8: {  	p0 =	seq.s32 s6, $0x0;
	s6 =	simm.s32 $0x5B;
	s31 =	sshll.u32 s0, $0x6  }
0x9: {  	s1 =	sor.u32 s0, s1;
	s28 =	sshrl.u32 s26, $0x1;
	s6 =	simm.s32 @!p0 $0x43  }
0xa: {  	s5 =	smul.u32 $0x600, s1;
	s1 =	rddreg [dreg:$0x3];
	_ =	strace $0x8000004A  }
0xb: {  	s8 =	sadd.s32 s9, s8;
	s12 =	ssub.s32 s26, s28;
	s30 =	sshrl.u32 s29, $0x2  }
0xc: {  	s8 =	sshrl.u32 s8, $0x3;
	s13 =	sadd.s32 s30, s3;
	s10 =	sadd.s32 s5, s7  }
0xd: {  	s5 =	sadd.s32 $0x2A00, s7;
	s11 =	sadd.s32 s8, s7;
	s7 =	sor.u32 $0x1C02, s31  }
0xe: {  	s8 =	sadd.s32 $0x55200, s10;
	s9 =	sadd.s32 $0x61200, s10;
	s10 =	sadd.s32 $0x5200, s11  }
0xf: {  	s11 =	smax.u32 s12, $0x1;
	s12 =	sshrl.u32 s13, $0x3;
	s13 =	simm.s32 $0x2  }
.LBB2_1:
0x10: {  	[spmem:s12], [sflag:s7] =	dma.local [hbm:s5], $0x2800  }
0x11: {  	_ =	swait.ge [sflag:s13], $0x2800  }
0x12: {  	[sflag:s13] =	ssyncset.done $0x0  }
0x13: {  	[sflag:s13] =	ssyncadd.s32 $0xFFFFD800  }
0x14: {  	[tilespmem:s4], [sflag:$0x2] =	stream.linear.gather [hbm4b:s8+s4], $0x2D80, $0x38;
	[tilespmem:$0x1E000] =	vst v63  }
0x15: {  	_ =	swait.ge [sflag:s13], $0x2D80  }
0x16: {  	[sflag:s13] =	ssyncset.done $0x0  }
0x17: {  	s18 =	simm.s32 $0x3000;
	[sflag:s13] =	ssyncadd.s32 $0xFFFFD280  }
0x18: {  	[tilespmem:s18], [sflag:$0x2] =	stream.linear.gather [hbm4b:s9+s4], $0x2D80, $0x38;
	[tilespmem:$0x1E000] =	vst v63  }
0x19: {  	_ =	swait.ge [sflag:s13], $0x2D80  }
0x1a: {  	[sflag:s13] =	ssyncset.done $0x0  }
0x1b: {  	[sflag:s13] =	ssyncadd.s32 $0xFFFFD280  }
0x1c: {  	[bflag:$0x0] =	sbarrier.arrive $0xFFFF  }
0x1d: {  	[tilespmem:s15], [sflag:$0x1] =	stream.indirect.gather [hbm4b:s2+s14], $0x80, s4, s14, $0xb8;
	[tilespmem:$0x1E000] =	vst v63  }
0x1e: {  	p0 =	sne.s32 s6, $0x1;
	_ =	swait.ge [sflag:s16], $0x4000  }
.Ltmp0:
0x1f: {  	[sflag:s16] =	ssyncset.done $0x0;
	(pc) =	sbr.rel @!p0 .LBB2_3-.Ltmp0, $4  }
0x20: {  	[sflag:s16] =	ssyncadd.s32 $0xFFFFC000  }
0x21: {  	[spmem:s3] =	stream.indirect.scatter.add.f32 [tilespmem:s15], [sflag:$0x2], $0x80, s18, s14, $0xb8;
	[tilespmem:$0x1E000] =	vst v63  }
0x22: {  	_ =	swait.ge [sflag:s13], $0x4000  }
0x23: {  	s19 =	sadd.s32 $0xFFFFFFFF, s6;
	s20 =	simm.s32 $0x0;
	[sflag:s13] =	ssyncset.done $0x0  }
.LBB2_2:
0x24: {  	[sflag:s13] =	ssyncadd.s32 $0xFFFFC000;
	s20 =	sadd.s32 $0x80, s20;
	s18 =	sadd.s32 $0x80, s18  }
0x25: {  	[tilespmem:s15], [sflag:$0x1] =	stream.indirect.gather [hbm4b:s2+s14], $0x80, s20, s14, $0xb8;
	[tilespmem:$0x1E000] =	vst v63  }
0x26: {  	p0 =	sne.s32 s19, $0x1;
	s19 =	sadd.s32 $0xFFFFFFFF, s19;
	_ =	swait.ge [sflag:s16], $0x4000  }
.Ltmp1:
0x27: {  	[sflag:s16] =	ssyncset.done $0x0;
	(pc) =	sbr.rel @p0 .LBB2_2-.Ltmp1, $4  }
0x28: {  	[sflag:s16] =	ssyncadd.s32 $0xFFFFC000  }
0x29: {  	[spmem:s3] =	stream.indirect.scatter.add.f32 [tilespmem:s15], [sflag:$0x2], $0x80, s18, s14, $0xb8;
	[tilespmem:$0x1E000] =	vst v63  }
0x2a: {  	_ =	swait.ge [sflag:s13], $0x4000  }
0x2b: {  	[sflag:s13] =	ssyncset.done $0x0  }
.LBB2_3:
0x2c: {  	s17 =	sadd.s32 $0x1, s17  }
0x2d: {  	[sflag:s13] =	ssyncadd.s32 $0xFFFFC000;
	p0 =	sne.s32 s17, s11  }
.Ltmp2:
0x2e: {  	[bflag:$0x0] =	sbarrier.arrive $0xFFFF;
	(pc) =	sbr.rel @p0 .LBB2_1-.Ltmp2, $4  }
0x2f: {  	[hbm:s10], [sflag:s7] =	dma.local [spmem:s12], $0x2800  }
0x30: {  	_ =	swait.ge [sflag:s13], $0x2800  }
0x31: {  	[sflag:s13] =	ssyncset.done $0x0  }
0x32: {  	[sflag:s13] =	ssyncadd.s32 $0xFFFFD800  }
0x33: {  	_ =	sfence.sel $0x180000  }
0x34: {  	[bflag:$0x0] =	sbarrier.arrive $0xFFFF  }
0x35: {  	p0 =	sne.s32 s0, $0x0;
	_ =	strace $0x9000004A  }
0x36: {  	s0 =	sadd.s32 @!p0 $0x100000, s1;
	[bflag:$0x2] =	sbarrier.arrive $0xFFFF  }
0x37: {  	[sflag:s0] =	ssyncadd.tile.s32 @!p0 $0x1;
	_ =	shalt  }
.Lfunc_end2:
_tile_overlayer_lowered:
.L_overlay_start_2:
0x38: {  	(tag) =	ssettag $0x2  }
0x39: {  	s0 =	rddreg [dreg:$0x0];
	s2 =	stileid.u32  }
0x3a: {  	s1 =	rddreg [dreg:$0x1];
	p0 =	sne.s32 s2, $0x0  }
0x3b: {  	s3 =	rddreg [dreg:$0x2];
	[bflag:$0x3] =	sbarrier.arrive $0xFFFF;
	s2 =	simm.s32 @!p0 $0x1C02  }
0x3c: {  	[timem:s3], [sflag:s2] =	dma.local @!p0 [hbm:s0], s1  }
0x3d: {  	s0 =	simm.s32 @!p0 $0x2  }
0x3e: {  	_ =	swait.ge @!p0 [sflag:s0], s1  }
0x3f: {  	s1 =	ssub.s32 @!p0 $0x0, s1;
	[sflag:s0] =	ssyncset.done @!p0 $0x0  }
0x40: {  	[sflag:s0] =	ssyncadd.s32 @!p0 s1  }
0x41: {  	[bflag:$0x3] =	sbarrier.arrive $0xFFFF  }
0x42: {  	_ =	shalt  }

</sc_bundles>
